<compile_context>
chip_gen: v7x
topology: tpu7x:2x2x1
jax: 0.10.2.dev20260603
libtpu: 0.0.44.dev20260713+nightly
codegen_flags: <defaults>
</compile_context>

<pallas_src>
import functools

import jax
import jax.numpy as jnp
from jax import lax
from jax.experimental import pallas as pl
from jax.experimental.pallas import tpu as pltpu
from jax.experimental.pallas import tpu_sc as plsc

N = 10000
E = 320000
D = 128
G = 16
NC, NS = 2, 16
NW = NC * NS
CH = 128
NCH = 80
E_W = NCH * CH
E_PAD = NW * E_W
EW_RAW = E // NW
NFULL = EW_RAW // CH
ETAIL = EW_RAW - NFULL * CH
NPD = N + 640

_mesh = plsc.VectorSubcoreMesh(core_axis_name="c", subcore_axis_name="s")


@functools.partial(
    pl.kernel,
    mesh=_mesh,
    out_type=jax.ShapeDtypeStruct((NC * N,), jnp.float32),
    scratch_types=[
        pltpu.VMEM((NCH, CH), jnp.int32),
        pltpu.VMEM((CH,), jnp.float32),
        pltpu.VMEM((N,), jnp.float32),
        pltpu.VMEM_SHARED((NPD,), jnp.float32),
        pltpu.SemaphoreType.DMA,
    ],
)
def _deg_kernel(dst_hbm, zero_hbm, out_hbm, didx_v, ones_v, bounce_v, acc_s,
                sem):
    c = lax.axis_index("c")
    s = lax.axis_index("s")
    w = c * NS + s
    for k in range(CH // 16):
        ones_v[pl.ds(k * 16, 16)] = jnp.ones((16,), jnp.float32)
    pltpu.sync_copy(dst_hbm.at[pl.ds(pl.multiple_of(w * NCH, 8), NCH)],
                    didx_v)

    @pl.when(s == 0)
    def _():
        pltpu.sync_copy(zero_hbm, bounce_v)
        pltpu.sync_copy(bounce_v, acc_s.at[pl.ds(0, N)])
        pltpu.sync_copy(bounce_v.at[pl.ds(0, NPD - N)],
                        acc_s.at[pl.ds(N, NPD - N)])

    plsc.subcore_barrier()

    KG = 8

    def body(t, carry):
        for b in range(KG):
            pltpu.async_copy(ones_v, acc_s.at[didx_v.at[t * KG + b]], sem,
                             add=True)
        for b in range(KG):
            pltpu.make_async_copy(ones_v, acc_s.at[didx_v.at[t * KG + b]],
                                  sem).wait()
        return carry

    lax.fori_loop(0, NCH // KG, body, 0)
    plsc.subcore_barrier()

    @pl.when(s == 0)
    def _():
        pltpu.sync_copy(acc_s.at[pl.ds(0, N)], bounce_v)
        pltpu.sync_copy(bounce_v,
                        out_hbm.at[pl.ds(pl.multiple_of(c * N, 8), N)])


@functools.partial(
    pl.kernel,
    mesh=_mesh,
    out_type=jax.ShapeDtypeStruct((NC, N, D), jnp.float32),
    scratch_types=[
        pltpu.VMEM((CH,), jnp.int32),
        pltpu.VMEM((CH,), jnp.int32),
        pltpu.VMEM((CH,), jnp.int32),
        pltpu.VMEM((CH,), jnp.int32),
        pltpu.VMEM((ETAIL,), jnp.int32),
        pltpu.VMEM((ETAIL,), jnp.int32),
        pltpu.VMEM((CH, D), jnp.float32),
        pltpu.VMEM((CH, D), jnp.float32),
        pltpu.VMEM((ETAIL, D), jnp.float32),
        pltpu.VMEM_SHARED((N, D), jnp.float32),
        pltpu.SemaphoreType.DMA,
        pltpu.SemaphoreType.DMA,
        pltpu.SemaphoreType.DMA,
        pltpu.SemaphoreType.DMA,
        pltpu.SemaphoreType.DMA,
        pltpu.SemaphoreType.DMA,
    ],
)
def _agg_kernel(xs_hbm, src_hbm, dst_hbm, zero_hbm, out_hbm, si0_v, si1_v,
                di0_v, di1_v, sit_v, dit_v, rows0_v, rows1_v, rowst_v, acc_s,
                sem0, sem1, semd0, semd1, semsi0, semsi1):
    c = lax.axis_index("c")
    s = lax.axis_index("s")
    w = c * NS + s

    @pl.when(s == 0)
    def _():
        pltpu.sync_copy(zero_hbm, acc_s)

    plsc.subcore_barrier()
    base = w * EW_RAW
    NPAIR = NFULL // 2

    pltpu.sync_copy(src_hbm.at[pl.ds(base, CH)], si0_v)
    pltpu.async_copy(xs_hbm.at[si0_v], rows0_v, sem0)
    pltpu.async_copy(dst_hbm.at[pl.ds(base, CH)], di0_v, semd0)
    pltpu.async_copy(src_hbm.at[pl.ds(base + CH, CH)], si1_v, semsi1)

    def body(i, carry):
        g0 = i * 2
        g1 = g0 + 1
        pltpu.make_async_copy(src_hbm.at[pl.ds(base + g1 * CH, CH)], si1_v,
                              semsi1).wait()
        pltpu.async_copy(xs_hbm.at[si1_v], rows1_v, sem1)
        pltpu.async_copy(dst_hbm.at[pl.ds(base + g1 * CH, CH)], di1_v, semd1)
        pltpu.make_async_copy(xs_hbm.at[si0_v], rows0_v, sem0).wait()

        @pl.when(i < NPAIR - 1)
        def _():
            pltpu.async_copy(src_hbm.at[pl.ds(base + (g0 + 2) * CH, CH)],
                             si0_v, semsi0)

        pltpu.make_async_copy(dst_hbm.at[pl.ds(base + g0 * CH, CH)], di0_v,
                              semd0).wait()
        pltpu.sync_copy(rows0_v, acc_s.at[di0_v], add=True)

        @pl.when(i < NPAIR - 1)
        def _():
            pltpu.make_async_copy(src_hbm.at[pl.ds(base + (g0 + 2) * CH, CH)],
                                  si0_v, semsi0).wait()
            pltpu.async_copy(xs_hbm.at[si0_v], rows0_v, sem0)
            pltpu.async_copy(dst_hbm.at[pl.ds(base + (g0 + 2) * CH, CH)],
                             di0_v, semd0)

        pltpu.make_async_copy(dst_hbm.at[pl.ds(base + g1 * CH, CH)], di1_v,
                              semd1).wait()
        pltpu.make_async_copy(xs_hbm.at[si1_v], rows1_v, sem1).wait()

        @pl.when(i < NPAIR - 1)
        def _():
            pltpu.async_copy(src_hbm.at[pl.ds(base + (g1 + 2) * CH, CH)],
                             si1_v, semsi1)

        pltpu.sync_copy(rows1_v, acc_s.at[di1_v], add=True)
        return carry

    lax.fori_loop(0, NPAIR, body, 0)
    off = base + NFULL * CH
    pltpu.sync_copy(src_hbm.at[pl.ds(off, ETAIL)], sit_v)
    pltpu.async_copy(xs_hbm.at[sit_v], rowst_v, sem0).wait()
    pltpu.sync_copy(dst_hbm.at[pl.ds(off, ETAIL)], dit_v)
    pltpu.sync_copy(rowst_v, acc_s.at[dit_v], add=True)
    plsc.subcore_barrier()

    @pl.when(s == 0)
    def _():
        pltpu.sync_copy(acc_s, out_hbm.at[c])


def _scale_body(deg_ref, x_ref, xs_ref):
    dinv = lax.rsqrt(deg_ref[:, 0:1] + deg_ref[:, 1:2] + 1.0)
    xs_ref[...] = x_ref[...] * dinv


def _layer_body(acc_ref, deg_ref, xin_ref, w_ref, b_ref, h_ref, xs_ref):
    dinv = lax.rsqrt(deg_ref[:, 0:1] + deg_ref[:, 1:2] + 1.0)
    agg = dinv * (acc_ref[0] + acc_ref[1]) + (dinv * dinv) * xin_ref[...]
    h = jnp.dot(agg, w_ref[...], preferred_element_type=jnp.float32)
    h = jnp.maximum(h + b_ref[...], 0.0)
    h_ref[...] = h
    xs_ref[...] = h * dinv


def _final_body(acc_ref, deg_ref, h1_ref, w_ref, b_ref, batch_ref, lw_ref,
                lb_ref, out_ref):
    dinv = lax.rsqrt(deg_ref[:, 0:1] + deg_ref[:, 1:2] + 1.0)
    agg = dinv * (acc_ref[0] + acc_ref[1]) + (dinv * dinv) * h1_ref[...]
    h2 = jnp.dot(agg, w_ref[...], preferred_element_type=jnp.float32)
    h2 = jnp.maximum(h2 + b_ref[...], 0.0)
    gid = lax.broadcasted_iota(jnp.int32, (G, N), 0)
    onehot = (jnp.broadcast_to(batch_ref[...], (G, N)) == gid)
    onehot = onehot.astype(jnp.float32)
    sums = jnp.dot(onehot, h2, preferred_element_type=jnp.float32)
    counts = jnp.sum(onehot, axis=1, keepdims=True)
    pooled = sums / jnp.maximum(counts, 1.0)
    out_ref[...] = (
        jnp.dot(pooled, lw_ref[...], preferred_element_type=jnp.float32)
        + lb_ref[...])


_scale_call = pl.pallas_call(
    _scale_body, out_shape=jax.ShapeDtypeStruct((N, D), jnp.float32))

_layer_call = pl.pallas_call(
    _layer_body,
    out_shape=(jax.ShapeDtypeStruct((N, D), jnp.float32),
               jax.ShapeDtypeStruct((N, D), jnp.float32)))

_final_call = pl.pallas_call(
    _final_body, out_shape=jax.ShapeDtypeStruct((G, 1), jnp.float32))


@jax.jit
def kernel(x, edge_index, batch, W1, b1, W2, b2, lin_W, lin_b):
    src = edge_index[0]
    dst = edge_index[1]
    pad = E_PAD - E
    spread = jnp.arange(pad, dtype=jnp.int32)
    dst2d_deg = jnp.concatenate([dst, N + spread % (NPD - N)]).reshape(
        NW * NCH, CH)
    src1d = src
    dst1d = dst
    zero1 = jnp.zeros((N,), jnp.float32)
    zero2 = jnp.zeros((N, D), jnp.float32)
    deg_t = _deg_kernel(dst2d_deg, zero1).reshape(NC, N).T
    xs1 = _scale_call(deg_t, x)
    acc1 = _agg_kernel(xs1, src1d, dst1d, zero2)
    h1, xs2 = _layer_call(acc1, deg_t, x, W1, b1)
    acc2 = _agg_kernel(xs2, src1d, dst1d, zero2)
    return _final_call(acc2, deg_t, h1, W2, b2, batch.reshape(1, N),
                       lin_W, lin_b)

# --- scband reference (transcript-rebuilt; emitter-appended) ---
"""Pipeline reference for scband-gcn-1872605741597 (READ-ONLY COPY).

The authoritative reference and input builder live on the scoring server;
editing this copy changes nothing except your own understanding.
"""

import jax, jax.numpy as jnp
import numpy as np

N_NODES = 10000
N_EDGES = 320000
D_IN = 128
D_HID = 128
D_OUT = 1
N_GRAPHS = 16


def setup_inputs(seed: int = 0) -> dict:
    key = jax.random.key(seed)
    ks = jax.random.split(key, 10)
    x = jax.random.normal(ks[0], (N_NODES, D_IN), dtype=jnp.float32)
    edge_index = jax.random.randint(ks[1], (2, N_EDGES), 0, N_NODES, dtype=jnp.int64 if jax.config.read('jax_enable_x64') else jnp.int32).astype(jnp.int32)
    batch = jnp.sort(jax.random.randint(ks[2], (N_NODES,), 0, N_GRAPHS)).astype(jnp.int32)
    # GCNConv weights (glorot-like scale)
    W1 = jax.random.normal(ks[3], (D_IN, D_HID), dtype=jnp.float32) * (1.0 / np.sqrt(D_IN))
    b1 = jnp.zeros((D_HID,), dtype=jnp.float32)
    W2 = jax.random.normal(ks[4], (D_HID, D_HID), dtype=jnp.float32) * (1.0 / np.sqrt(D_HID))
    b2 = jnp.zeros((D_HID,), dtype=jnp.float32)
    lin_W = jax.random.normal(ks[5], (D_HID, D_OUT), dtype=jnp.float32) * (1.0 / np.sqrt(D_HID))
    lin_b = jnp.zeros((D_OUT,), dtype=jnp.float32)
    return {"x": x, "edge_index": edge_index, "batch": batch,
            "W1": W1, "b1": b1, "W2": W2, "b2": b2, "lin_W": lin_W, "lin_b": lin_b}


def _gcn_conv(x, W, b, src, dst, n):
    # GCNConv with added self-loops and symmetric normalization:
    # out = D^{-1/2} (A + I) D^{-1/2} X W + b
    h = x @ W
    deg = jax.ops.segment_sum(jnp.ones(src.shape[0], dtype=h.dtype), dst, num_segments=n)
    dinv = jnp.where(deg > 0, jax.lax.rsqrt(jnp.maximum(deg, 1e-12)), 0.0)
    norm = dinv[src] * dinv[dst]
    msg = h[src] * norm[:, None]
    out = jax.ops.segment_sum(msg, dst, num_segments=n)
    return out + b


def reference(x, edge_index, batch, W1, b1, W2, b2, lin_W, lin_b):
    n = x.shape[0]
    loops = jnp.arange(n, dtype=edge_index.dtype)
    src = jnp.concatenate([edge_index[0], loops])
    dst = jnp.concatenate([edge_index[1], loops])

    h = _gcn_conv(x, W1, b1, src, dst, n)
    h = jax.nn.relu(h)
    # dropout is identity in eval mode
    h = _gcn_conv(h, W2, b2, src, dst, n)
    h = jax.nn.relu(h)

    # global_mean_pool over batch assignment
    sums = jax.ops.segment_sum(h, batch, num_segments=N_GRAPHS)
    counts = jax.ops.segment_sum(jnp.ones((n,), dtype=h.dtype), batch, num_segments=N_GRAPHS)
    pooled = sums / jnp.maximum(counts, 1.0)[:, None]

    return pooled @ lin_W + lin_b

if __name__ == "__main__":
    import jax
    _d = setup_inputs()
    print(jax.jit(kernel)(*tuple(_d.values())))

</pallas_src>

<mosaic_0001>
#map = affine_map<(d0, d1) -> (0, 0)>
#map1 = affine_map<(d0, d1) -> (0)>
module attributes {stable_mosaic.version = 14 : i64} {
  func.func @_deg_kernel(%arg0: i32, %arg1: i32, %arg2: memref<2560x128xi32, #tpu.memory_space<hbm>>, %arg3: memref<10000xf32, #tpu.memory_space<hbm>>, %arg4: memref<20000xf32, #tpu.memory_space<hbm>>, %arg5: memref<80x128xi32, #tpu.memory_space<vmem>>, %arg6: memref<128xf32, #tpu.memory_space<vmem>>, %arg7: memref<10000xf32, #tpu.memory_space<vmem>>, %arg8: memref<10640xf32, #tpu.memory_space<vmem_shared>>, %arg9: memref<!tpu.dma_semaphore, #tpu.memory_space<semaphore_mem>>) attributes {dimension_semantics = [#tpu.dimension_semantics<core_parallel>, #tpu.dimension_semantics<subcore_parallel>], iteration_bounds = array<i64: 2, 16>, scalar_prefetch = 0 : i64, scratch_operands = 5 : i64, tpu.core_type = #tpu.core_type<sc_vector_subcore>, window_params = [{transform_indices = #map}, {transform_indices = #map1}, {transform_indices = #map1}]} {
    %mul3A = arith.constant 16 : i32
    %mul3A_0 = arith.muli %arg0, %mul3A : i32
    %add3A = arith.addi %mul3A_0, %arg1 : i32
    %broadcast_in_dim3A = arith.constant 1.000000e+00 : f32
    %broadcast_in_dim3A_1 = vector.broadcast %broadcast_in_dim3A : f32 to vector<16xf32>
    %swap3A = arith.constant 0 : index
    %swap3A_2 = tpu.vector_load %arg6[%swap3A] {strides = array<i32>} : memref<128xf32, #tpu.memory_space<vmem>>, vector<16xf32>,
    %swap3A_3 = vector.shape_cast %swap3A_2 : vector<16xf32> to vector<16xf32>
    %swap3A_4 = vector.shape_cast %broadcast_in_dim3A_1 : vector<16xf32> to vector<16xf32>
    tpu.vector_store %arg6[%swap3A], %swap3A_4 {strides = array<i32>} : memref<128xf32, #tpu.memory_space<vmem>>, vector<16xf32>,
    %broadcast_in_dim3A_5 = arith.constant 1.000000e+00 : f32
    %broadcast_in_dim3A_6 = vector.broadcast %broadcast_in_dim3A_5 : f32 to vector<16xf32>
    %swap3A_7 = arith.constant 16 : index
    %swap3A_8 = tpu.vector_load %arg6[%swap3A_7] {strides = array<i32>} : memref<128xf32, #tpu.memory_space<vmem>>, vector<16xf32>,
    %swap3A_9 = vector.shape_cast %swap3A_8 : vector<16xf32> to vector<16xf32>
    %swap3A_10 = vector.shape_cast %broadcast_in_dim3A_6 : vector<16xf32> to vector<16xf32>
    tpu.vector_store %arg6[%swap3A_7], %swap3A_10 {strides = array<i32>} : memref<128xf32, #tpu.memory_space<vmem>>, vector<16xf32>,
    %broadcast_in_dim3A_11 = arith.constant 1.000000e+00 : f32
    %broadcast_in_dim3A_12 = vector.broadcast %broadcast_in_dim3A_11 : f32 to vector<16xf32>
    %swap3A_13 = arith.constant 32 : index
    %swap3A_14 = tpu.vector_load %arg6[%swap3A_13] {strides = array<i32>} : memref<128xf32, #tpu.memory_space<vmem>>, vector<16xf32>,
    %swap3A_15 = vector.shape_cast %swap3A_14 : vector<16xf32> to vector<16xf32>
    %swap3A_16 = vector.shape_cast %broadcast_in_dim3A_12 : vector<16xf32> to vector<16xf32>
    tpu.vector_store %arg6[%swap3A_13], %swap3A_16 {strides = array<i32>} : memref<128xf32, #tpu.memory_space<vmem>>, vector<16xf32>,
    %broadcast_in_dim3A_17 = arith.constant 1.000000e+00 : f32
    %broadcast_in_dim3A_18 = vector.broadcast %broadcast_in_dim3A_17 : f32 to vector<16xf32>
    %swap3A_19 = arith.constant 48 : index
    %swap3A_20 = tpu.vector_load %arg6[%swap3A_19] {strides = array<i32>} : memref<128xf32, #tpu.memory_space<vmem>>, vector<16xf32>,
    %swap3A_21 = vector.shape_cast %swap3A_20 : vector<16xf32> to vector<16xf32>
    %swap3A_22 = vector.shape_cast %broadcast_in_dim3A_18 : vector<16xf32> to vector<16xf32>
    tpu.vector_store %arg6[%swap3A_19], %swap3A_22 {strides = array<i32>} : memref<128xf32, #tpu.memory_space<vmem>>, vector<16xf32>,
    %broadcast_in_dim3A_23 = arith.constant 1.000000e+00 : f32
    %broadcast_in_dim3A_24 = vector.broadcast %broadcast_in_dim3A_23 : f32 to vector<16xf32>
    %swap3A_25 = arith.constant 64 : index
    %swap3A_26 = tpu.vector_load %arg6[%swap3A_25] {strides = array<i32>} : memref<128xf32, #tpu.memory_space<vmem>>, vector<16xf32>,
    %swap3A_27 = vector.shape_cast %swap3A_26 : vector<16xf32> to vector<16xf32>
    %swap3A_28 = vector.shape_cast %broadcast_in_dim3A_24 : vector<16xf32> to vector<16xf32>
    tpu.vector_store %arg6[%swap3A_25], %swap3A_28 {strides = array<i32>} : memref<128xf32, #tpu.memory_space<vmem>>, vector<16xf32>,
    %broadcast_in_dim3A_29 = arith.constant 1.000000e+00 : f32
    %broadcast_in_dim3A_30 = vector.broadcast %broadcast_in_dim3A_29 : f32 to vector<16xf32>
    %swap3A_31 = arith.constant 80 : index
    %swap3A_32 = tpu.vector_load %arg6[%swap3A_31] {strides = array<i32>} : memref<128xf32, #tpu.memory_space<vmem>>, vector<16xf32>,
    %swap3A_33 = vector.shape_cast %swap3A_32 : vector<16xf32> to vector<16xf32>
    %swap3A_34 = vector.shape_cast %broadcast_in_dim3A_30 : vector<16xf32> to vector<16xf32>
    tpu.vector_store %arg6[%swap3A_31], %swap3A_34 {strides = array<i32>} : memref<128xf32, #tpu.memory_space<vmem>>, vector<16xf32>,
    %broadcast_in_dim3A_35 = arith.constant 1.000000e+00 : f32
    %broadcast_in_dim3A_36 = vector.broadcast %broadcast_in_dim3A_35 : f32 to vector<16xf32>
    %swap3A_37 = arith.constant 96 : index
    %swap3A_38 = tpu.vector_load %arg6[%swap3A_37] {strides = array<i32>} : memref<128xf32, #tpu.memory_space<vmem>>, vector<16xf32>,
    %swap3A_39 = vector.shape_cast %swap3A_38 : vector<16xf32> to vector<16xf32>
    %swap3A_40 = vector.shape_cast %broadcast_in_dim3A_36 : vector<16xf32> to vector<16xf32>
    tpu.vector_store %arg6[%swap3A_37], %swap3A_40 {strides = array<i32>} : memref<128xf32, #tpu.memory_space<vmem>>, vector<16xf32>,
    %broadcast_in_dim3A_41 = arith.constant 1.000000e+00 : f32
    %broadcast_in_dim3A_42 = vector.broadcast %broadcast_in_dim3A_41 : f32 to vector<16xf32>
    %swap3A_43 = arith.constant 112 : index
    %swap3A_44 = tpu.vector_load %arg6[%swap3A_43] {strides = array<i32>} : memref<128xf32, #tpu.memory_space<vmem>>, vector<16xf32>,
    %swap3A_45 = vector.shape_cast %swap3A_44 : vector<16xf32> to vector<16xf32>
    %swap3A_46 = vector.shape_cast %broadcast_in_dim3A_42 : vector<16xf32> to vector<16xf32>
    tpu.vector_store %arg6[%swap3A_43], %swap3A_46 {strides = array<i32>} : memref<128xf32, #tpu.memory_space<vmem>>, vector<16xf32>,
    %mul3A_47 = arith.constant 80 : i32
    %mul3A_48 = arith.muli %add3A, %mul3A_47 : i32
    %multiple_of3A = tpu.assume_multiple %mul3A_48, 8 : i32
    "tpu.region"() ({
      %run_scoped3A = tpu.sem_alloc : memref<!tpu.dma_semaphore, #tpu.memory_space<semaphore_mem>>
      %dma_start3A = arith.constant 0 : i32
      %dma_start3A_62 = tpu.memref_slice %arg2[%multiple_of3A, %dma_start3A] : memref<2560x128xi32, #tpu.memory_space<hbm>> -> memref<80x128xi32, #tpu.memory_space<hbm>>
      %dma_start3A_63 = arith.constant 0 : i32
      %dma_start3A_64 = tpu.memref_slice %arg2[%multiple_of3A, %dma_start3A_63] : memref<2560x128xi32, #tpu.memory_space<hbm>> -> memref<80x128xi32, #tpu.memory_space<hbm>>
      tpu.enqueue_dma source(%dma_start3A_64 : memref<80x128xi32, #tpu.memory_space<hbm>>) target(%arg5 : memref<80x128xi32, #tpu.memory_space<vmem>>) target_semaphore(%run_scoped3A : memref<!tpu.dma_semaphore, #tpu.memory_space<semaphore_mem>>)
      %dma_wait3A = arith.constant 0 : i32
      %dma_wait3A_65 = tpu.memref_slice %arg2[%multiple_of3A, %dma_wait3A] : memref<2560x128xi32, #tpu.memory_space<hbm>> -> memref<80x128xi32, #tpu.memory_space<hbm>>
      %dma_wait3A_66 = arith.constant 0 : i32
      %dma_wait3A_67 = tpu.memref_slice %arg2[%multiple_of3A, %dma_wait3A_66] : memref<2560x128xi32, #tpu.memory_space<hbm>> -> memref<80x128xi32, #tpu.memory_space<hbm>>
      tpu.wait_dma2 semaphore(%run_scoped3A : memref<!tpu.dma_semaphore, #tpu.memory_space<semaphore_mem>>) src(%dma_wait3A_67 : memref<80x128xi32, #tpu.memory_space<hbm>>) dst(%arg5 : memref<80x128xi32, #tpu.memory_space<vmem>>)
      tpu.yield
    }) : () -> ()
    %eq3A = arith.constant 0 : i32
    %eq3A_49 = arith.cmpi eq, %arg1, %eq3A : i32
    %convert_element_type3A = arith.extui %eq3A_49 : i1 to i32
    %cond3A = arith.constant 0 : i32
    %cond3A_50 = arith.cmpi ne, %convert_element_type3A, %cond3A : i32
    scf.if %cond3A_50 {
      "tpu.region"() ({
        %run_scoped3A = tpu.sem_alloc : memref<!tpu.dma_semaphore, #tpu.memory_space<semaphore_mem>>
        tpu.enqueue_dma source(%arg3 : memref<10000xf32, #tpu.memory_space<hbm>>) target(%arg7 : memref<10000xf32, #tpu.memory_space<vmem>>) target_semaphore(%run_scoped3A : memref<!tpu.dma_semaphore, #tpu.memory_space<semaphore_mem>>)
        tpu.wait_dma2 semaphore(%run_scoped3A : memref<!tpu.dma_semaphore, #tpu.memory_space<semaphore_mem>>) src(%arg3 : memref<10000xf32, #tpu.memory_space<hbm>>) dst(%arg7 : memref<10000xf32, #tpu.memory_space<vmem>>)
        tpu.yield
      }) : () -> ()
      "tpu.region"() ({
        %run_scoped3A = tpu.sem_alloc : memref<!tpu.dma_semaphore, #tpu.memory_space<semaphore_mem>>
        %dma_start3A = arith.constant 0 : i32
        %dma_start3A_62 = tpu.memref_slice %arg8[%dma_start3A] : memref<10640xf32, #tpu.memory_space<vmem_shared>> -> memref<10000xf32, #tpu.memory_space<vmem_shared>>
        %dma_start3A_63 = arith.constant 0 : i32
        %dma_start3A_64 = tpu.memref_slice %arg8[%dma_start3A_63] : memref<10640xf32, #tpu.memory_space<vmem_shared>> -> memref<10000xf32, #tpu.memory_space<vmem_shared>>
        tpu.enqueue_dma source(%arg7 : memref<10000xf32, #tpu.memory_space<vmem>>) target(%dma_start3A_64 : memref<10000xf32, #tpu.memory_space<vmem_shared>>) target_semaphore(%run_scoped3A : memref<!tpu.dma_semaphore, #tpu.memory_space<semaphore_mem>>)
        %dma_wait3A = arith.constant 0 : i32
        %dma_wait3A_65 = tpu.memref_slice %arg8[%dma_wait3A] : memref<10640xf32, #tpu.memory_space<vmem_shared>> -> memref<10000xf32, #tpu.memory_space<vmem_shared>>
        %dma_wait3A_66 = arith.constant 0 : i32
        %dma_wait3A_67 = tpu.memref_slice %arg8[%dma_wait3A_66] : memref<10640xf32, #tpu.memory_space<vmem_shared>> -> memref<10000xf32, #tpu.memory_space<vmem_shared>>
        tpu.wait_dma2 semaphore(%run_scoped3A : memref<!tpu.dma_semaphore, #tpu.memory_space<semaphore_mem>>) src(%arg7 : memref<10000xf32, #tpu.memory_space<vmem>>) dst(%dma_wait3A_67 : memref<10000xf32, #tpu.memory_space<vmem_shared>>)
        tpu.yield
      }) : () -> ()
      "tpu.region"() ({
        %run_scoped3A = tpu.sem_alloc : memref<!tpu.dma_semaphore, #tpu.memory_space<semaphore_mem>>
        %dma_start3A = arith.constant 0 : i32
        %dma_start3A_62 = tpu.memref_slice %arg7[%dma_start3A] : memref<10000xf32, #tpu.memory_space<vmem>> -> memref<640xf32, #tpu.memory_space<vmem>>
        %dma_start3A_63 = arith.constant 10000 : i32
        %dma_start3A_64 = tpu.memref_slice %arg8[%dma_start3A_63] : memref<10640xf32, #tpu.memory_space<vmem_shared>> -> memref<640xf32, #tpu.memory_space<vmem_shared>>
        %dma_start3A_65 = arith.constant 10000 : i32
        %dma_start3A_66 = tpu.memref_slice %arg8[%dma_start3A_65] : memref<10640xf32, #tpu.memory_space<vmem_shared>> -> memref<640xf32, #tpu.memory_space<vmem_shared>>
        %dma_start3A_67 = arith.constant 0 : i32
        %dma_start3A_68 = tpu.memref_slice %arg7[%dma_start3A_67] : memref<10000xf32, #tpu.memory_space<vmem>> -> memref<640xf32, #tpu.memory_space<vmem>>
        tpu.enqueue_dma source(%dma_start3A_68 : memref<640xf32, #tpu.memory_space<vmem>>) target(%dma_start3A_66 : memref<640xf32, #tpu.memory_space<vmem_shared>>) target_semaphore(%run_scoped3A : memref<!tpu.dma_semaphore, #tpu.memory_space<semaphore_mem>>)
        %dma_wait3A = arith.constant 0 : i32
        %dma_wait3A_69 = tpu.memref_slice %arg7[%dma_wait3A] : memref<10000xf32, #tpu.memory_space<vmem>> -> memref<640xf32, #tpu.memory_space<vmem>>
        %dma_wait3A_70 = arith.constant 10000 : i32
        %dma_wait3A_71 = tpu.memref_slice %arg8[%dma_wait3A_70] : memref<10640xf32, #tpu.memory_space<vmem_shared>> -> memref<640xf32, #tpu.memory_space<vmem_shared>>
        %dma_wait3A_72 = arith.constant 10000 : i32
        %dma_wait3A_73 = tpu.memref_slice %arg8[%dma_wait3A_72] : memref<10640xf32, #tpu.memory_space<vmem_shared>> -> memref<640xf32, #tpu.memory_space<vmem_shared>>
        %dma_wait3A_74 = arith.constant 0 : i32
        %dma_wait3A_75 = tpu.memref_slice %arg7[%dma_wait3A_74] : memref<10000xf32, #tpu.memory_space<vmem>> -> memref<640xf32, #tpu.memory_space<vmem>>
        tpu.wait_dma2 semaphore(%run_scoped3A : memref<!tpu.dma_semaphore, #tpu.memory_space<semaphore_mem>>) src(%dma_wait3A_75 : memref<640xf32, #tpu.memory_space<vmem>>) dst(%dma_wait3A_73 : memref<640xf32, #tpu.memory_space<vmem_shared>>)
        tpu.yield
      }) : () -> ()
    } else {
    }
    %barrier3A = arith.constant 0 : index
    tpu.barrier barrier_id(%barrier3A)
    %scan3A = arith.constant 0 : i32
    %scan3A_51 = arith.constant 0 : i32
    %scan3A_52 = arith.constant 10 : i32
    %scan3A_53 = arith.addi %scan3A_51, %scan3A_52 : i32
    %scan3A_54 = arith.constant 1 : i32
    scf.for %scan3A_62 = %scan3A_51 to %scan3A_53 step %scan3A_54  : i32 {
      %mul3A_63 = arith.constant 8 : i32
      %mul3A_64 = arith.muli %scan3A_62, %mul3A_63 : i32
      %add3A_65 = arith.constant 0 : i32
      %add3A_66 = arith.addi %mul3A_64, %add3A_65 : i32
      %dma_start3A = arith.constant 0 : i32
      %dma_start3A_67 = tpu.memref_slice %arg5[%add3A_66, %dma_start3A] : memref<80x128xi32, #tpu.memory_space<vmem>> -> memref<1x128xi32, #tpu.memory_space<vmem>>
      %dma_start3A_68 = tpu.memref_squeeze %dma_start3A_67 : memref<1x128xi32, #tpu.memory_space<vmem>> -> memref<128xi32, #tpu.memory_space<vmem>>
      %dma_start3A_69 = arith.constant 0 : i32
      %dma_start3A_70 = tpu.memref_slice %arg8[%dma_start3A_69] : memref<10640xf32, #tpu.memory_space<vmem_shared>> -> memref<10640xf32, #tpu.memory_space<vmem_shared>>
      tpu.enqueue_indirect_dma source(%arg6 : memref<128xf32, #tpu.memory_space<vmem>>) target(%dma_start3A_70 : memref<10640xf32, #tpu.memory_space<vmem_shared>>) offsets(%dma_start3A_68 : memref<128xi32, #tpu.memory_space<vmem>>) semaphore(%arg9 : memref<!tpu.dma_semaphore, #tpu.memory_space<semaphore_mem>>) {add = true}
      %mul3A_71 = arith.constant 8 : i32
      %mul3A_72 = arith.muli %scan3A_62, %mul3A_71 : i32
      %add3A_73 = arith.constant 1 : i32
      %add3A_74 = arith.addi %mul3A_72, %add3A_73 : i32
      %dma_start3A_75 = arith.constant 0 : i32
      %dma_start3A_76 = tpu.memref_slice %arg5[%add3A_74, %dma_start3A_75] : memref<80x128xi32, #tpu.memory_space<vmem>> -> memref<1x128xi32, #tpu.memory_space<vmem>>
      %dma_start3A_77 = tpu.memref_squeeze %dma_start3A_76 : memref<1x128xi32, #tpu.memory_space<vmem>> -> memref<128xi32, #tpu.memory_space<vmem>>
      %dma_start3A_78 = arith.constant 0 : i32
      %dma_start3A_79 = tpu.memref_slice %arg8[%dma_start3A_78] : memref<10640xf32, #tpu.memory_space<vmem_shared>> -> memref<10640xf32, #tpu.memory_space<vmem_shared>>
      tpu.enqueue_indirect_dma source(%arg6 : memref<128xf32, #tpu.memory_space<vmem>>) target(%dma_start3A_79 : memref<10640xf32, #tpu.memory_space<vmem_shared>>) offsets(%dma_start3A_77 : memref<128xi32, #tpu.memory_space<vmem>>) semaphore(%arg9 : memref<!tpu.dma_semaphore, #tpu.memory_space<semaphore_mem>>) {add = true}
      %mul3A_80 = arith.constant 8 : i32
      %mul3A_81 = arith.muli %scan3A_62, %mul3A_80 : i32
      %add3A_82 = arith.constant 2 : i32
      %add3A_83 = arith.addi %mul3A_81, %add3A_82 : i32
      %dma_start3A_84 = arith.constant 0 : i32
      %dma_start3A_85 = tpu.memref_slice %arg5[%add3A_83, %dma_start3A_84] : memref<80x128xi32, #tpu.memory_space<vmem>> -> memref<1x128xi32, #tpu.memory_space<vmem>>
      %dma_start3A_86 = tpu.memref_squeeze %dma_start3A_85 : memref<1x128xi32, #tpu.memory_space<vmem>> -> memref<128xi32, #tpu.memory_space<vmem>>
      %dma_start3A_87 = arith.constant 0 : i32
      %dma_start3A_88 = tpu.memref_slice %arg8[%dma_start3A_87] : memref<10640xf32, #tpu.memory_space<vmem_shared>> -> memref<10640xf32, #tpu.memory_space<vmem_shared>>
      tpu.enqueue_indirect_dma source(%arg6 : memref<128xf32, #tpu.memory_space<vmem>>) target(%dma_start3A_88 : memref<10640xf32, #tpu.memory_space<vmem_shared>>) offsets(%dma_start3A_86 : memref<128xi32, #tpu.memory_space<vmem>>) semaphore(%arg9 : memref<!tpu.dma_semaphore, #tpu.memory_space<semaphore_mem>>) {add = true}
      %mul3A_89 = arith.constant 8 : i32
      %mul3A_90 = arith.muli %scan3A_62, %mul3A_89 : i32
      %add3A_91 = arith.constant 3 : i32
      %add3A_92 = arith.addi %mul3A_90, %add3A_91 : i32
      %dma_start3A_93 = arith.constant 0 : i32
      %dma_start3A_94 = tpu.memref_slice %arg5[%add3A_92, %dma_start3A_93] : memref<80x128xi32, #tpu.memory_space<vmem>> -> memref<1x128xi32, #tpu.memory_space<vmem>>
      %dma_start3A_95 = tpu.memref_squeeze %dma_start3A_94 : memref<1x128xi32, #tpu.memory_space<vmem>> -> memref<128xi32, #tpu.memory_space<vmem>>
      %dma_start3A_96 = arith.constant 0 : i32
      %dma_start3A_97 = tpu.memref_slice %arg8[%dma_start3A_96] : memref<10640xf32, #tpu.memory_space<vmem_shared>> -> memref<10640xf32, #tpu.memory_space<vmem_shared>>
      tpu.enqueue_indirect_dma source(%arg6 : memref<128xf32, #tpu.memory_space<vmem>>) target(%dma_start3A_97 : memref<10640xf32, #tpu.memory_space<vmem_shared>>) offsets(%dma_start3A_95 : memref<128xi32, #tpu.memory_space<vmem>>) semaphore(%arg9 : memref<!tpu.dma_semaphore, #tpu.memory_space<semaphore_mem>>) {add = true}
      %mul3A_98 = arith.constant 8 : i32
      %mul3A_99 = arith.muli %scan3A_62, %mul3A_98 : i32
      %add3A_100 = arith.constant 4 : i32
      %add3A_101 = arith.addi %mul3A_99, %add3A_100 : i32
      %dma_start3A_102 = arith.constant 0 : i32
      %dma_start3A_103 = tpu.memref_slice %arg5[%add3A_101, %dma_start3A_102] : memref<80x128xi32, #tpu.memory_space<vmem>> -> memref<1x128xi32, #tpu.memory_space<vmem>>
      %dma_start3A_104 = tpu.memref_squeeze %dma_start3A_103 : memref<1x128xi32, #tpu.memory_space<vmem>> -> memref<128xi32, #tpu.memory_space<vmem>>
      %dma_start3A_105 = arith.constant 0 : i32
      %dma_start3A_106 = tpu.memref_slice %arg8[%dma_start3A_105] : memref<10640xf32, #tpu.memory_space<vmem_shared>> -> memref<10640xf32, #tpu.memory_space<vmem_shared>>
      tpu.enqueue_indirect_dma source(%arg6 : memref<128xf32, #tpu.memory_space<vmem>>) target(%dma_start3A_106 : memref<10640xf32, #tpu.memory_space<vmem_shared>>) offsets(%dma_start3A_104 : memref<128xi32, #tpu.memory_space<vmem>>) semaphore(%arg9 : memref<!tpu.dma_semaphore, #tpu.memory_space<semaphore_mem>>) {add = true}
      %mul3A_107 = arith.constant 8 : i32
      %mul3A_108 = arith.muli %scan3A_62, %mul3A_107 : i32
      %add3A_109 = arith.constant 5 : i32
      %add3A_110 = arith.addi %mul3A_108, %add3A_109 : i32
      %dma_start3A_111 = arith.constant 0 : i32
      %dma_start3A_112 = tpu.memref_slice %arg5[%add3A_110, %dma_start3A_111] : memref<80x128xi32, #tpu.memory_space<vmem>> -> memref<1x128xi32, #tpu.memory_space<vmem>>
      %dma_start3A_113 = tpu.memref_squeeze %dma_start3A_112 : memref<1x128xi32, #tpu.memory_space<vmem>> -> memref<128xi32, #tpu.memory_space<vmem>>
      %dma_start3A_114 = arith.constant 0 : i32
      %dma_start3A_115 = tpu.memref_slice %arg8[%dma_start3A_114] : memref<10640xf32, #tpu.memory_space<vmem_shared>> -> memref<10640xf32, #tpu.memory_space<vmem_shared>>
      tpu.enqueue_indirect_dma source(%arg6 : memref<128xf32, #tpu.memory_space<vmem>>) target(%dma_start3A_115 : memref<10640xf32, #tpu.memory_space<vmem_shared>>) offsets(%dma_start3A_113 : memref<128xi32, #tpu.memory_space<vmem>>) semaphore(%arg9 : memref<!tpu.dma_semaphore, #tpu.memory_space<semaphore_mem>>) {add = true}
      %mul3A_116 = arith.constant 8 : i32
      %mul3A_117 = arith.muli %scan3A_62, %mul3A_116 : i32
      %add3A_118 = arith.constant 6 : i32
      %add3A_119 = arith.addi %mul3A_117, %add3A_118 : i32
      %dma_start3A_120 = arith.constant 0 : i32
      %dma_start3A_121 = tpu.memref_slice %arg5[%add3A_119, %dma_start3A_120] : memref<80x128xi32, #tpu.memory_space<vmem>> -> memref<1x128xi32, #tpu.memory_space<vmem>>
      %dma_start3A_122 = tpu.memref_squeeze %dma_start3A_121 : memref<1x128xi32, #tpu.memory_space<vmem>> -> memref<128xi32, #tpu.memory_space<vmem>>
      %dma_start3A_123 = arith.constant 0 : i32
      %dma_start3A_124 = tpu.memref_slice %arg8[%dma_start3A_123] : memref<10640xf32, #tpu.memory_space<vmem_shared>> -> memref<10640xf32, #tpu.memory_space<vmem_shared>>
      tpu.enqueue_indirect_dma source(%arg6 : memref<128xf32, #tpu.memory_space<vmem>>) target(%dma_start3A_124 : memref<10640xf32, #tpu.memory_space<vmem_shared>>) offsets(%dma_start3A_122 : memref<128xi32, #tpu.memory_space<vmem>>) semaphore(%arg9 : memref<!tpu.dma_semaphore, #tpu.memory_space<semaphore_mem>>) {add = true}
      %mul3A_125 = arith.constant 8 : i32
      %mul3A_126 = arith.muli %scan3A_62, %mul3A_125 : i32
      %add3A_127 = arith.constant 7 : i32
      %add3A_128 = arith.addi %mul3A_126, %add3A_127 : i32
      %dma_start3A_129 = arith.constant 0 : i32
      %dma_start3A_130 = tpu.memref_slice %arg5[%add3A_128, %dma_start3A_129] : memref<80x128xi32, #tpu.memory_space<vmem>> -> memref<1x128xi32, #tpu.memory_space<vmem>>
      %dma_start3A_131 = tpu.memref_squeeze %dma_start3A_130 : memref<1x128xi32, #tpu.memory_space<vmem>> -> memref<128xi32, #tpu.memory_space<vmem>>
      %dma_start3A_132 = arith.constant 0 : i32
      %dma_start3A_133 = tpu.memref_slice %arg8[%dma_start3A_132] : memref<10640xf32, #tpu.memory_space<vmem_shared>> -> memref<10640xf32, #tpu.memory_space<vmem_shared>>
      tpu.enqueue_indirect_dma source(%arg6 : memref<128xf32, #tpu.memory_space<vmem>>) target(%dma_start3A_133 : memref<10640xf32, #tpu.memory_space<vmem_shared>>) offsets(%dma_start3A_131 : memref<128xi32, #tpu.memory_space<vmem>>) semaphore(%arg9 : memref<!tpu.dma_semaphore, #tpu.memory_space<semaphore_mem>>) {add = true}
      %mul3A_134 = arith.constant 8 : i32
      %mul3A_135 = arith.muli %scan3A_62, %mul3A_134 : i32
      %add3A_136 = arith.constant 0 : i32
      %add3A_137 = arith.addi %mul3A_135, %add3A_136 : i32
      %dma_wait3A = arith.constant 0 : i32
      %dma_wait3A_138 = tpu.memref_slice %arg5[%add3A_137, %dma_wait3A] : memref<80x128xi32, #tpu.memory_space<vmem>> -> memref<1x128xi32, #tpu.memory_space<vmem>>
      %dma_wait3A_139 = tpu.memref_squeeze %dma_wait3A_138 : memref<1x128xi32, #tpu.memory_space<vmem>> -> memref<128xi32, #tpu.memory_space<vmem>>
      %dma_wait3A_140 = arith.constant 0 : i32
      %dma_wait3A_141 = tpu.memref_slice %arg8[%dma_wait3A_140] : memref<10640xf32, #tpu.memory_space<vmem_shared>> -> memref<10640xf32, #tpu.memory_space<vmem_shared>>
      tpu.wait_indirect_dma semaphore(%arg9 : memref<!tpu.dma_semaphore, #tpu.memory_space<semaphore_mem>>) src(%arg6 : memref<128xf32, #tpu.memory_space<vmem>>) dst(%dma_wait3A_141 : memref<10640xf32, #tpu.memory_space<vmem_shared>>)
      %mul3A_142 = arith.constant 8 : i32
      %mul3A_143 = arith.muli %scan3A_62, %mul3A_142 : i32
      %add3A_144 = arith.constant 1 : i32
      %add3A_145 = arith.addi %mul3A_143, %add3A_144 : i32
      %dma_wait3A_146 = arith.constant 0 : i32
      %dma_wait3A_147 = tpu.memref_slice %arg5[%add3A_145, %dma_wait3A_146] : memref<80x128xi32, #tpu.memory_space<vmem>> -> memref<1x128xi32, #tpu.memory_space<vmem>>
      %dma_wait3A_148 = tpu.memref_squeeze %dma_wait3A_147 : memref<1x128xi32, #tpu.memory_space<vmem>> -> memref<128xi32, #tpu.memory_space<vmem>>
      %dma_wait3A_149 = arith.constant 0 : i32
      %dma_wait3A_150 = tpu.memref_slice %arg8[%dma_wait3A_149] : memref<10640xf32, #tpu.memory_space<vmem_shared>> -> memref<10640xf32, #tpu.memory_space<vmem_shared>>
      tpu.wait_indirect_dma semaphore(%arg9 : memref<!tpu.dma_semaphore, #tpu.memory_space<semaphore_mem>>) src(%arg6 : memref<128xf32, #tpu.memory_space<vmem>>) dst(%dma_wait3A_150 : memref<10640xf32, #tpu.memory_space<vmem_shared>>)
      %mul3A_151 = arith.constant 8 : i32
      %mul3A_152 = arith.muli %scan3A_62, %mul3A_151 : i32
      %add3A_153 = arith.constant 2 : i32
      %add3A_154 = arith.addi %mul3A_152, %add3A_153 : i32
      %dma_wait3A_155 = arith.constant 0 : i32
      %dma_wait3A_156 = tpu.memref_slice %arg5[%add3A_154, %dma_wait3A_155] : memref<80x128xi32, #tpu.memory_space<vmem>> -> memref<1x128xi32, #tpu.memory_space<vmem>>
      %dma_wait3A_157 = tpu.memref_squeeze %dma_wait3A_156 : memref<1x128xi32, #tpu.memory_space<vmem>> -> memref<128xi32, #tpu.memory_space<vmem>>
      %dma_wait3A_158 = arith.constant 0 : i32
      %dma_wait3A_159 = tpu.memref_slice %arg8[%dma_wait3A_158] : memref<10640xf32, #tpu.memory_space<vmem_shared>> -> memref<10640xf32, #tpu.memory_space<vmem_shared>>
      tpu.wait_indirect_dma semaphore(%arg9 : memref<!tpu.dma_semaphore, #tpu.memory_space<semaphore_mem>>) src(%arg6 : memref<128xf32, #tpu.memory_space<vmem>>) dst(%dma_wait3A_159 : memref<10640xf32, #tpu.memory_space<vmem_shared>>)
      %mul3A_160 = arith.constant 8 : i32
      %mul3A_161 = arith.muli %scan3A_62, %mul3A_160 : i32
      %add3A_162 = arith.constant 3 : i32
      %add3A_163 = arith.addi %mul3A_161, %add3A_162 : i32
      %dma_wait3A_164 = arith.constant 0 : i32
      %dma_wait3A_165 = tpu.memref_slice %arg5[%add3A_163, %dma_wait3A_164] : memref<80x128xi32, #tpu.memory_space<vmem>> -> memref<1x128xi32, #tpu.memory_space<vmem>>
      %dma_wait3A_166 = tpu.memref_squeeze %dma_wait3A_165 : memref<1x128xi32, #tpu.memory_space<vmem>> -> memref<128xi32, #tpu.memory_space<vmem>>
      %dma_wait3A_167 = arith.constant 0 : i32
      %dma_wait3A_168 = tpu.memref_slice %arg8[%dma_wait3A_167] : memref<10640xf32, #tpu.memory_space<vmem_shared>> -> memref<10640xf32, #tpu.memory_space<vmem_shared>>
      tpu.wait_indirect_dma semaphore(%arg9 : memref<!tpu.dma_semaphore, #tpu.memory_space<semaphore_mem>>) src(%arg6 : memref<128xf32, #tpu.memory_space<vmem>>) dst(%dma_wait3A_168 : memref<10640xf32, #tpu.memory_space<vmem_shared>>)
      %mul3A_169 = arith.constant 8 : i32
      %mul3A_170 = arith.muli %scan3A_62, %mul3A_169 : i32
      %add3A_171 = arith.constant 4 : i32
      %add3A_172 = arith.addi %mul3A_170, %add3A_171 : i32
      %dma_wait3A_173 = arith.constant 0 : i32
      %dma_wait3A_174 = tpu.memref_slice %arg5[%add3A_172, %dma_wait3A_173] : memref<80x128xi32, #tpu.memory_space<vmem>> -> memref<1x128xi32, #tpu.memory_space<vmem>>
      %dma_wait3A_175 = tpu.memref_squeeze %dma_wait3A_174 : memref<1x128xi32, #tpu.memory_space<vmem>> -> memref<128xi32, #tpu.memory_space<vmem>>
      %dma_wait3A_176 = arith.constant 0 : i32
      %dma_wait3A_177 = tpu.memref_slice %arg8[%dma_wait3A_176] : memref<10640xf32, #tpu.memory_space<vmem_shared>> -> memref<10640xf32, #tpu.memory_space<vmem_shared>>
      tpu.wait_indirect_dma semaphore(%arg9 : memref<!tpu.dma_semaphore, #tpu.memory_space<semaphore_mem>>) src(%arg6 : memref<128xf32, #tpu.memory_space<vmem>>) dst(%dma_wait3A_177 : memref<10640xf32, #tpu.memory_space<vmem_shared>>)
      %mul3A_178 = arith.constant 8 : i32
      %mul3A_179 = arith.muli %scan3A_62, %mul3A_178 : i32
      %add3A_180 = arith.constant 5 : i32
      %add3A_181 = arith.addi %mul3A_179, %add3A_180 : i32
      %dma_wait3A_182 = arith.constant 0 : i32
      %dma_wait3A_183 = tpu.memref_slice %arg5[%add3A_181, %dma_wait3A_182] : memref<80x128xi32, #tpu.memory_space<vmem>> -> memref<1x128xi32, #tpu.memory_space<vmem>>
      %dma_wait3A_184 = tpu.memref_squeeze %dma_wait3A_183 : memref<1x128xi32, #tpu.memory_space<vmem>> -> memref<128xi32, #tpu.memory_space<vmem>>
      %dma_wait3A_185 = arith.constant 0 : i32
      %dma_wait3A_186 = tpu.memref_slice %arg8[%dma_wait3A_185] : memref<10640xf32, #tpu.memory_space<vmem_shared>> -> memref<10640xf32, #tpu.memory_space<vmem_shared>>
      tpu.wait_indirect_dma semaphore(%arg9 : memref<!tpu.dma_semaphore, #tpu.memory_space<semaphore_mem>>) src(%arg6 : memref<128xf32, #tpu.memory_space<vmem>>) dst(%dma_wait3A_186 : memref<10640xf32, #tpu.memory_space<vmem_shared>>)
      %mul3A_187 = arith.constant 8 : i32
      %mul3A_188 = arith.muli %scan3A_62, %mul3A_187 : i32
      %add3A_189 = arith.constant 6 : i32
      %add3A_190 = arith.addi %mul3A_188, %add3A_189 : i32
      %dma_wait3A_191 = arith.constant 0 : i32
      %dma_wait3A_192 = tpu.memref_slice %arg5[%add3A_190, %dma_wait3A_191] : memref<80x128xi32, #tpu.memory_space<vmem>> -> memref<1x128xi32, #tpu.memory_space<vmem>>
      %dma_wait3A_193 = tpu.memref_squeeze %dma_wait3A_192 : memref<1x128xi32, #tpu.memory_space<vmem>> -> memref<128xi32, #tpu.memory_space<vmem>>
      %dma_wait3A_194 = arith.constant 0 : i32
      %dma_wait3A_195 = tpu.memref_slice %arg8[%dma_wait3A_194] : memref<10640xf32, #tpu.memory_space<vmem_shared>> -> memref<10640xf32, #tpu.memory_space<vmem_shared>>
      tpu.wait_indirect_dma semaphore(%arg9 : memref<!tpu.dma_semaphore, #tpu.memory_space<semaphore_mem>>) src(%arg6 : memref<128xf32, #tpu.memory_space<vmem>>) dst(%dma_wait3A_195 : memref<10640xf32, #tpu.memory_space<vmem_shared>>)
      %mul3A_196 = arith.constant 8 : i32
      %mul3A_197 = arith.muli %scan3A_62, %mul3A_196 : i32
      %add3A_198 = arith.constant 7 : i32
      %add3A_199 = arith.addi %mul3A_197, %add3A_198 : i32
      %dma_wait3A_200 = arith.constant 0 : i32
      %dma_wait3A_201 = tpu.memref_slice %arg5[%add3A_199, %dma_wait3A_200] : memref<80x128xi32, #tpu.memory_space<vmem>> -> memref<1x128xi32, #tpu.memory_space<vmem>>
      %dma_wait3A_202 = tpu.memref_squeeze %dma_wait3A_201 : memref<1x128xi32, #tpu.memory_space<vmem>> -> memref<128xi32, #tpu.memory_space<vmem>>
      %dma_wait3A_203 = arith.constant 0 : i32
      %dma_wait3A_204 = tpu.memref_slice %arg8[%dma_wait3A_203] : memref<10640xf32, #tpu.memory_space<vmem_shared>> -> memref<10640xf32, #tpu.memory_space<vmem_shared>>
      tpu.wait_indirect_dma semaphore(%arg9 : memref<!tpu.dma_semaphore, #tpu.memory_space<semaphore_mem>>) src(%arg6 : memref<128xf32, #tpu.memory_space<vmem>>) dst(%dma_wait3A_204 : memref<10640xf32, #tpu.memory_space<vmem_shared>>)
    }
    %scan3A_55 = arith.constant 10 : i32
    %barrier3A_56 = arith.constant 0 : index
    tpu.barrier barrier_id(%barrier3A_56)
    %eq3A_57 = arith.constant 0 : i32
    %eq3A_58 = arith.cmpi eq, %arg1, %eq3A_57 : i32
    %convert_element_type3A_59 = arith.extui %eq3A_58 : i1 to i32
    %cond3A_60 = arith.constant 0 : i32
    %cond3A_61 = arith.cmpi ne, %convert_element_type3A_59, %cond3A_60 : i32
    scf.if %cond3A_61 {
      "tpu.region"() ({
        %run_scoped3A = tpu.sem_alloc : memref<!tpu.dma_semaphore, #tpu.memory_space<semaphore_mem>>
        %dma_start3A = arith.constant 0 : i32
        %dma_start3A_65 = tpu.memref_slice %arg8[%dma_start3A] : memref<10640xf32, #tpu.memory_space<vmem_shared>> -> memref<10000xf32, #tpu.memory_space<vmem_shared>>
        %dma_start3A_66 = arith.constant 0 : i32
        %dma_start3A_67 = tpu.memref_slice %arg8[%dma_start3A_66] : memref<10640xf32, #tpu.memory_space<vmem_shared>> -> memref<10000xf32, #tpu.memory_space<vmem_shared>>
        tpu.enqueue_dma source(%dma_start3A_67 : memref<10000xf32, #tpu.memory_space<vmem_shared>>) target(%arg7 : memref<10000xf32, #tpu.memory_space<vmem>>) target_semaphore(%run_scoped3A : memref<!tpu.dma_semaphore, #tpu.memory_space<semaphore_mem>>)
        %dma_wait3A = arith.constant 0 : i32
        %dma_wait3A_68 = tpu.memref_slice %arg8[%dma_wait3A] : memref<10640xf32, #tpu.memory_space<vmem_shared>> -> memref<10000xf32, #tpu.memory_space<vmem_shared>>
        %dma_wait3A_69 = arith.constant 0 : i32
        %dma_wait3A_70 = tpu.memref_slice %arg8[%dma_wait3A_69] : memref<10640xf32, #tpu.memory_space<vmem_shared>> -> memref<10000xf32, #tpu.memory_space<vmem_shared>>
        tpu.wait_dma2 semaphore(%run_scoped3A : memref<!tpu.dma_semaphore, #tpu.memory_space<semaphore_mem>>) src(%dma_wait3A_70 : memref<10000xf32, #tpu.memory_space<vmem_shared>>) dst(%arg7 : memref<10000xf32, #tpu.memory_space<vmem>>)
        tpu.yield
      }) : () -> ()
      %mul3A_62 = arith.constant 10000 : i32
      %mul3A_63 = arith.muli %arg0, %mul3A_62 : i32
      %multiple_of3A_64 = tpu.assume_multiple %mul3A_63, 8 : i32
      "tpu.region"() ({
        %run_scoped3A = tpu.sem_alloc : memref<!tpu.dma_semaphore, #tpu.memory_space<semaphore_mem>>
        %dma_start3A = tpu.memref_slice %arg4[%multiple_of3A_64] : memref<20000xf32, #tpu.memory_space<hbm>> -> memref<10000xf32, #tpu.memory_space<hbm>>
        %dma_start3A_65 = tpu.memref_slice %arg4[%multiple_of3A_64] : memref<20000xf32, #tpu.memory_space<hbm>> -> memref<10000xf32, #tpu.memory_space<hbm>>
        tpu.enqueue_dma source(%arg7 : memref<10000xf32, #tpu.memory_space<vmem>>) target(%dma_start3A_65 : memref<10000xf32, #tpu.memory_space<hbm>>) target_semaphore(%run_scoped3A : memref<!tpu.dma_semaphore, #tpu.memory_space<semaphore_mem>>)
        %dma_wait3A = tpu.memref_slice %arg4[%multiple_of3A_64] : memref<20000xf32, #tpu.memory_space<hbm>> -> memref<10000xf32, #tpu.memory_space<hbm>>
        %dma_wait3A_66 = tpu.memref_slice %arg4[%multiple_of3A_64] : memref<20000xf32, #tpu.memory_space<hbm>> -> memref<10000xf32, #tpu.memory_space<hbm>>
        tpu.wait_dma2 semaphore(%run_scoped3A : memref<!tpu.dma_semaphore, #tpu.memory_space<semaphore_mem>>) src(%arg7 : memref<10000xf32, #tpu.memory_space<vmem>>) dst(%dma_wait3A_66 : memref<10000xf32, #tpu.memory_space<hbm>>)
        tpu.yield
      }) : () -> ()
    } else {
    }
    return
  }
}

#map = affine_map<(d0, d1) -> (0, 0)>
#map1 = affine_map<(d0, d1) -> (0)>
#map2 = affine_map<(d0, d1) -> (0, 0, 0)>
module attributes {stable_mosaic.version = 14 : i64} {
  func.func @_agg_kernel(%arg0: i32, %arg1: i32, %arg2: memref<10000x128xf32, #tpu.memory_space<hbm>>, %arg3: memref<320000xi32, #tpu.memory_space<hbm>>, %arg4: memref<320000xi32, #tpu.memory_space<hbm>>, %arg5: memref<10000x128xf32, #tpu.memory_space<hbm>>, %arg6: memref<2x10000x128xf32, #tpu.memory_space<hbm>>, %arg7: memref<128xi32, #tpu.memory_space<vmem>>, %arg8: memref<128xi32, #tpu.memory_space<vmem>>, %arg9: memref<128xi32, #tpu.memory_space<vmem>>, %arg10: memref<128xi32, #tpu.memory_space<vmem>>, %arg11: memref<16xi32, #tpu.memory_space<vmem>>, %arg12: memref<16xi32, #tpu.memory_space<vmem>>, %arg13: memref<128x128xf32, #tpu.memory_space<vmem>>, %arg14: memref<128x128xf32, #tpu.memory_space<vmem>>, %arg15: memref<16x128xf32, #tpu.memory_space<vmem>>, %arg16: memref<10000x128xf32, #tpu.memory_space<vmem_shared>>, %arg17: memref<!tpu.dma_semaphore, #tpu.memory_space<semaphore_mem>>, %arg18: memref<!tpu.dma_semaphore, #tpu.memory_space<semaphore_mem>>, %arg19: memref<!tpu.dma_semaphore, #tpu.memory_space<semaphore_mem>>, %arg20: memref<!tpu.dma_semaphore, #tpu.memory_space<semaphore_mem>>, %arg21: memref<!tpu.dma_semaphore, #tpu.memory_space<semaphore_mem>>, %arg22: memref<!tpu.dma_semaphore, #tpu.memory_space<semaphore_mem>>) attributes {dimension_semantics = [#tpu.dimension_semantics<core_parallel>, #tpu.dimension_semantics<subcore_parallel>], iteration_bounds = array<i64: 2, 16>, scalar_prefetch = 0 : i64, scratch_operands = 16 : i64, tpu.core_type = #tpu.core_type<sc_vector_subcore>, window_params = [{transform_indices = #map}, {transform_indices = #map1}, {transform_indices = #map1}, {transform_indices = #map}, {transform_indices = #map2}]} {
    %mul3A = arith.constant 16 : i32
    %mul3A_0 = arith.muli %arg0, %mul3A : i32
    %add3A = arith.addi %mul3A_0, %arg1 : i32
    %eq3A = arith.constant 0 : i32
    %eq3A_1 = arith.cmpi eq, %arg1, %eq3A : i32
    %convert_element_type3A = arith.extui %eq3A_1 : i1 to i32
    %cond3A = arith.constant 0 : i32
    %cond3A_2 = arith.cmpi ne, %convert_element_type3A, %cond3A : i32
    scf.if %cond3A_2 {
      "tpu.region"() ({
        %run_scoped3A = tpu.sem_alloc : memref<!tpu.dma_semaphore, #tpu.memory_space<semaphore_mem>>
        tpu.enqueue_dma source(%arg5 : memref<10000x128xf32, #tpu.memory_space<hbm>>) target(%arg16 : memref<10000x128xf32, #tpu.memory_space<vmem_shared>>) target_semaphore(%run_scoped3A : memref<!tpu.dma_semaphore, #tpu.memory_space<semaphore_mem>>)
        tpu.wait_dma2 semaphore(%run_scoped3A : memref<!tpu.dma_semaphore, #tpu.memory_space<semaphore_mem>>) src(%arg5 : memref<10000x128xf32, #tpu.memory_space<hbm>>) dst(%arg16 : memref<10000x128xf32, #tpu.memory_space<vmem_shared>>)
        tpu.yield
      }) : () -> ()
    } else {
    }
    %barrier3A = arith.constant 0 : index
    tpu.barrier barrier_id(%barrier3A)
    %mul3A_3 = arith.constant 10000 : i32
    %mul3A_4 = arith.muli %add3A, %mul3A_3 : i32
    "tpu.region"() ({
      %run_scoped3A = tpu.sem_alloc : memref<!tpu.dma_semaphore, #tpu.memory_space<semaphore_mem>>
      %dma_start3A_31 = tpu.memref_slice %arg3[%mul3A_4] : memref<320000xi32, #tpu.memory_space<hbm>> -> memref<128xi32, #tpu.memory_space<hbm>>
      %dma_start3A_32 = tpu.memref_slice %arg3[%mul3A_4] : memref<320000xi32, #tpu.memory_space<hbm>> -> memref<128xi32, #tpu.memory_space<hbm>>
      tpu.enqueue_dma source(%dma_start3A_32 : memref<128xi32, #tpu.memory_space<hbm>>) target(%arg7 : memref<128xi32, #tpu.memory_space<vmem>>) target_semaphore(%run_scoped3A : memref<!tpu.dma_semaphore, #tpu.memory_space<semaphore_mem>>)
      %dma_wait3A_33 = tpu.memref_slice %arg3[%mul3A_4] : memref<320000xi32, #tpu.memory_space<hbm>> -> memref<128xi32, #tpu.memory_space<hbm>>
      %dma_wait3A_34 = tpu.memref_slice %arg3[%mul3A_4] : memref<320000xi32, #tpu.memory_space<hbm>> -> memref<128xi32, #tpu.memory_space<hbm>>
      tpu.wait_dma2 semaphore(%run_scoped3A : memref<!tpu.dma_semaphore, #tpu.memory_space<semaphore_mem>>) src(%dma_wait3A_34 : memref<128xi32, #tpu.memory_space<hbm>>) dst(%arg7 : memref<128xi32, #tpu.memory_space<vmem>>)
      tpu.yield
    }) : () -> ()
    %dma_start3A = arith.constant 0 : i32
    %dma_start3A_5 = arith.constant 0 : i32
    %dma_start3A_6 = tpu.memref_slice %arg2[%dma_start3A, %dma_start3A_5] : memref<10000x128xf32, #tpu.memory_space<hbm>> -> memref<10000x128xf32, #tpu.memory_space<hbm>>
    tpu.enqueue_indirect_dma source(%dma_start3A_6 : memref<10000x128xf32, #tpu.memory_space<hbm>>) target(%arg13 : memref<128x128xf32, #tpu.memory_space<vmem>>) offsets(%arg7 : memref<128xi32, #tpu.memory_space<vmem>>) semaphore(%arg17 : memref<!tpu.dma_semaphore, #tpu.memory_space<semaphore_mem>>)
    %dma_start3A_7 = tpu.memref_slice %arg4[%mul3A_4] : memref<320000xi32, #tpu.memory_space<hbm>> -> memref<128xi32, #tpu.memory_space<hbm>>
    %dma_start3A_8 = tpu.memref_slice %arg4[%mul3A_4] : memref<320000xi32, #tpu.memory_space<hbm>> -> memref<128xi32, #tpu.memory_space<hbm>>
    tpu.enqueue_dma source(%dma_start3A_8 : memref<128xi32, #tpu.memory_space<hbm>>) target(%arg9 : memref<128xi32, #tpu.memory_space<vmem>>) target_semaphore(%arg19 : memref<!tpu.dma_semaphore, #tpu.memory_space<semaphore_mem>>)
    %add3A_9 = arith.constant 128 : i32
    %add3A_10 = arith.addi %mul3A_4, %add3A_9 : i32
    %dma_start3A_11 = tpu.memref_slice %arg3[%add3A_10] : memref<320000xi32, #tpu.memory_space<hbm>> -> memref<128xi32, #tpu.memory_space<hbm>>
    %dma_start3A_12 = tpu.memref_slice %arg3[%add3A_10] : memref<320000xi32, #tpu.memory_space<hbm>> -> memref<128xi32, #tpu.memory_space<hbm>>
    tpu.enqueue_dma source(%dma_start3A_12 : memref<128xi32, #tpu.memory_space<hbm>>) target(%arg8 : memref<128xi32, #tpu.memory_space<vmem>>) target_semaphore(%arg22 : memref<!tpu.dma_semaphore, #tpu.memory_space<semaphore_mem>>)
    %scan3A = arith.constant 0 : i32
    %scan3A_13 = arith.constant 0 : i32
    %scan3A_14 = arith.constant 39 : i32
    %scan3A_15 = arith.addi %scan3A_13, %scan3A_14 : i32
    %scan3A_16 = arith.constant 1 : i32
    scf.for %scan3A_31 = %scan3A_13 to %scan3A_15 step %scan3A_16  : i32 {
      %mul3A_32 = arith.constant 2 : i32
      %mul3A_33 = arith.muli %scan3A_31, %mul3A_32 : i32
      %add3A_34 = arith.constant 1 : i32
      %add3A_35 = arith.addi %mul3A_33, %add3A_34 : i32
      %mul3A_36 = arith.constant 128 : i32
      %mul3A_37 = arith.muli %add3A_35, %mul3A_36 : i32
      %add3A_38 = arith.addi %mul3A_4, %mul3A_37 : i32
      %dma_wait3A_39 = tpu.memref_slice %arg3[%add3A_38] : memref<320000xi32, #tpu.memory_space<hbm>> -> memref<128xi32, #tpu.memory_space<hbm>>
      %dma_wait3A_40 = tpu.memref_slice %arg3[%add3A_38] : memref<320000xi32, #tpu.memory_space<hbm>> -> memref<128xi32, #tpu.memory_space<hbm>>
      tpu.wait_dma2 semaphore(%arg22 : memref<!tpu.dma_semaphore, #tpu.memory_space<semaphore_mem>>) src(%dma_wait3A_40 : memref<128xi32, #tpu.memory_space<hbm>>) dst(%arg8 : memref<128xi32, #tpu.memory_space<vmem>>)
      %dma_start3A_41 = arith.constant 0 : i32
      %dma_start3A_42 = arith.constant 0 : i32
      %dma_start3A_43 = tpu.memref_slice %arg2[%dma_start3A_41, %dma_start3A_42] : memref<10000x128xf32, #tpu.memory_space<hbm>> -> memref<10000x128xf32, #tpu.memory_space<hbm>>
      tpu.enqueue_indirect_dma source(%dma_start3A_43 : memref<10000x128xf32, #tpu.memory_space<hbm>>) target(%arg14 : memref<128x128xf32, #tpu.memory_space<vmem>>) offsets(%arg8 : memref<128xi32, #tpu.memory_space<vmem>>) semaphore(%arg18 : memref<!tpu.dma_semaphore, #tpu.memory_space<semaphore_mem>>)
      %mul3A_44 = arith.constant 128 : i32
      %mul3A_45 = arith.muli %add3A_35, %mul3A_44 : i32
      %add3A_46 = arith.addi %mul3A_4, %mul3A_45 : i32
      %dma_start3A_47 = tpu.memref_slice %arg4[%add3A_46] : memref<320000xi32, #tpu.memory_space<hbm>> -> memref<128xi32, #tpu.memory_space<hbm>>
      %dma_start3A_48 = tpu.memref_slice %arg4[%add3A_46] : memref<320000xi32, #tpu.memory_space<hbm>> -> memref<128xi32, #tpu.memory_space<hbm>>
      tpu.enqueue_dma source(%dma_start3A_48 : memref<128xi32, #tpu.memory_space<hbm>>) target(%arg10 : memref<128xi32, #tpu.memory_space<vmem>>) target_semaphore(%arg20 : memref<!tpu.dma_semaphore, #tpu.memory_space<semaphore_mem>>)
      %dma_wait3A_49 = arith.constant 0 : i32
      %dma_wait3A_50 = arith.constant 0 : i32
      %dma_wait3A_51 = tpu.memref_slice %arg2[%dma_wait3A_49, %dma_wait3A_50] : memref<10000x128xf32, #tpu.memory_space<hbm>> -> memref<10000x128xf32, #tpu.memory_space<hbm>>
      tpu.wait_indirect_dma semaphore(%arg17 : memref<!tpu.dma_semaphore, #tpu.memory_space<semaphore_mem>>) src(%dma_wait3A_51 : memref<10000x128xf32, #tpu.memory_space<hbm>>) dst(%arg13 : memref<128x128xf32, #tpu.memory_space<vmem>>)
      %lt3A = arith.constant 38 : i32
      %lt3A_52 = arith.cmpi slt, %scan3A_31, %lt3A : i32
      %convert_element_type3A_53 = arith.extui %lt3A_52 : i1 to i32
      %cond3A_54 = arith.constant 0 : i32
      %cond3A_55 = arith.cmpi ne, %convert_element_type3A_53, %cond3A_54 : i32
      scf.if %cond3A_55 {
        %add3A_79 = arith.constant 2 : i32
        %add3A_80 = arith.addi %mul3A_33, %add3A_79 : i32
        %mul3A_81 = arith.constant 128 : i32
        %mul3A_82 = arith.muli %add3A_80, %mul3A_81 : i32
        %add3A_83 = arith.addi %mul3A_4, %mul3A_82 : i32
        %dma_start3A_84 = tpu.memref_slice %arg3[%add3A_83] : memref<320000xi32, #tpu.memory_space<hbm>> -> memref<128xi32, #tpu.memory_space<hbm>>
        %dma_start3A_85 = tpu.memref_slice %arg3[%add3A_83] : memref<320000xi32, #tpu.memory_space<hbm>> -> memref<128xi32, #tpu.memory_space<hbm>>
        tpu.enqueue_dma source(%dma_start3A_85 : memref<128xi32, #tpu.memory_space<hbm>>) target(%arg7 : memref<128xi32, #tpu.memory_space<vmem>>) target_semaphore(%arg21 : memref<!tpu.dma_semaphore, #tpu.memory_space<semaphore_mem>>)
      } else {
      }
      %mul3A_56 = arith.constant 128 : i32
      %mul3A_57 = arith.muli %mul3A_33, %mul3A_56 : i32
      %add3A_58 = arith.addi %mul3A_4, %mul3A_57 : i32
      %dma_wait3A_59 = tpu.memref_slice %arg4[%add3A_58] : memref<320000xi32, #tpu.memory_space<hbm>> -> memref<128xi32, #tpu.memory_space<hbm>>
      %dma_wait3A_60 = tpu.memref_slice %arg4[%add3A_58] : memref<320000xi32, #tpu.memory_space<hbm>> -> memref<128xi32, #tpu.memory_space<hbm>>
      tpu.wait_dma2 semaphore(%arg19 : memref<!tpu.dma_semaphore, #tpu.memory_space<semaphore_mem>>) src(%dma_wait3A_60 : memref<128xi32, #tpu.memory_space<hbm>>) dst(%arg9 : memref<128xi32, #tpu.memory_space<vmem>>)
      "tpu.region"() ({
        %run_scoped3A = tpu.sem_alloc : memref<!tpu.dma_semaphore, #tpu.memory_space<semaphore_mem>>
        %dma_start3A_79 = arith.constant 0 : i32
        %dma_start3A_80 = arith.constant 0 : i32
        %dma_start3A_81 = tpu.memref_slice %arg16[%dma_start3A_79, %dma_start3A_80] : memref<10000x128xf32, #tpu.memory_space<vmem_shared>> -> memref<10000x128xf32, #tpu.memory_space<vmem_shared>>
        tpu.enqueue_indirect_dma source(%arg13 : memref<128x128xf32, #tpu.memory_space<vmem>>) target(%dma_start3A_81 : memref<10000x128xf32, #tpu.memory_space<vmem_shared>>) offsets(%arg9 : memref<128xi32, #tpu.memory_space<vmem>>) semaphore(%run_scoped3A : memref<!tpu.dma_semaphore, #tpu.memory_space<semaphore_mem>>) {add = true}
        %dma_wait3A_82 = arith.constant 0 : i32
        %dma_wait3A_83 = arith.constant 0 : i32
        %dma_wait3A_84 = tpu.memref_slice %arg16[%dma_wait3A_82, %dma_wait3A_83] : memref<10000x128xf32, #tpu.memory_space<vmem_shared>> -> memref<10000x128xf32, #tpu.memory_space<vmem_shared>>
        tpu.wait_indirect_dma semaphore(%run_scoped3A : memref<!tpu.dma_semaphore, #tpu.memory_space<semaphore_mem>>) src(%arg13 : memref<128x128xf32, #tpu.memory_space<vmem>>) dst(%dma_wait3A_84 : memref<10000x128xf32, #tpu.memory_space<vmem_shared>>)
        tpu.yield
      }) : () -> ()
      %lt3A_61 = arith.constant 38 : i32
      %lt3A_62 = arith.cmpi slt, %scan3A_31, %lt3A_61 : i32
      %convert_element_type3A_63 = arith.extui %lt3A_62 : i1 to i32
      %cond3A_64 = arith.constant 0 : i32
      %cond3A_65 = arith.cmpi ne, %convert_element_type3A_63, %cond3A_64 : i32
      scf.if %cond3A_65 {
        %add3A_79 = arith.constant 2 : i32
        %add3A_80 = arith.addi %mul3A_33, %add3A_79 : i32
        %mul3A_81 = arith.constant 128 : i32
        %mul3A_82 = arith.muli %add3A_80, %mul3A_81 : i32
        %add3A_83 = arith.addi %mul3A_4, %mul3A_82 : i32
        %dma_wait3A_84 = tpu.memref_slice %arg3[%add3A_83] : memref<320000xi32, #tpu.memory_space<hbm>> -> memref<128xi32, #tpu.memory_space<hbm>>
        %dma_wait3A_85 = tpu.memref_slice %arg3[%add3A_83] : memref<320000xi32, #tpu.memory_space<hbm>> -> memref<128xi32, #tpu.memory_space<hbm>>
        tpu.wait_dma2 semaphore(%arg21 : memref<!tpu.dma_semaphore, #tpu.memory_space<semaphore_mem>>) src(%dma_wait3A_85 : memref<128xi32, #tpu.memory_space<hbm>>) dst(%arg7 : memref<128xi32, #tpu.memory_space<vmem>>)
        %dma_start3A_86 = arith.constant 0 : i32
        %dma_start3A_87 = arith.constant 0 : i32
        %dma_start3A_88 = tpu.memref_slice %arg2[%dma_start3A_86, %dma_start3A_87] : memref<10000x128xf32, #tpu.memory_space<hbm>> -> memref<10000x128xf32, #tpu.memory_space<hbm>>
        tpu.enqueue_indirect_dma source(%dma_start3A_88 : memref<10000x128xf32, #tpu.memory_space<hbm>>) target(%arg13 : memref<128x128xf32, #tpu.memory_space<vmem>>) offsets(%arg7 : memref<128xi32, #tpu.memory_space<vmem>>) semaphore(%arg17 : memref<!tpu.dma_semaphore, #tpu.memory_space<semaphore_mem>>)
        %add3A_89 = arith.constant 2 : i32
        %add3A_90 = arith.addi %mul3A_33, %add3A_89 : i32
        %mul3A_91 = arith.constant 128 : i32
        %mul3A_92 = arith.muli %add3A_90, %mul3A_91 : i32
        %add3A_93 = arith.addi %mul3A_4, %mul3A_92 : i32
        %dma_start3A_94 = tpu.memref_slice %arg4[%add3A_93] : memref<320000xi32, #tpu.memory_space<hbm>> -> memref<128xi32, #tpu.memory_space<hbm>>
        %dma_start3A_95 = tpu.memref_slice %arg4[%add3A_93] : memref<320000xi32, #tpu.memory_space<hbm>> -> memref<128xi32, #tpu.memory_space<hbm>>
        tpu.enqueue_dma source(%dma_start3A_95 : memref<128xi32, #tpu.memory_space<hbm>>) target(%arg9 : memref<128xi32, #tpu.memory_space<vmem>>) target_semaphore(%arg19 : memref<!tpu.dma_semaphore, #tpu.memory_space<semaphore_mem>>)
      } else {
      }
      %mul3A_66 = arith.constant 128 : i32
      %mul3A_67 = arith.muli %add3A_35, %mul3A_66 : i32
      %add3A_68 = arith.addi %mul3A_4, %mul3A_67 : i32
      %dma_wait3A_69 = tpu.memref_slice %arg4[%add3A_68] : memref<320000xi32, #tpu.memory_space<hbm>> -> memref<128xi32, #tpu.memory_space<hbm>>
      %dma_wait3A_70 = tpu.memref_slice %arg4[%add3A_68] : memref<320000xi32, #tpu.memory_space<hbm>> -> memref<128xi32, #tpu.memory_space<hbm>>
      tpu.wait_dma2 semaphore(%arg20 : memref<!tpu.dma_semaphore, #tpu.memory_space<semaphore_mem>>) src(%dma_wait3A_70 : memref<128xi32, #tpu.memory_space<hbm>>) dst(%arg10 : memref<128xi32, #tpu.memory_space<vmem>>)
      %dma_wait3A_71 = arith.constant 0 : i32
      %dma_wait3A_72 = arith.constant 0 : i32
      %dma_wait3A_73 = tpu.memref_slice %arg2[%dma_wait3A_71, %dma_wait3A_72] : memref<10000x128xf32, #tpu.memory_space<hbm>> -> memref<10000x128xf32, #tpu.memory_space<hbm>>
      tpu.wait_indirect_dma semaphore(%arg18 : memref<!tpu.dma_semaphore, #tpu.memory_space<semaphore_mem>>) src(%dma_wait3A_73 : memref<10000x128xf32, #tpu.memory_space<hbm>>) dst(%arg14 : memref<128x128xf32, #tpu.memory_space<vmem>>)
      %lt3A_74 = arith.constant 38 : i32
      %lt3A_75 = arith.cmpi slt, %scan3A_31, %lt3A_74 : i32
      %convert_element_type3A_76 = arith.extui %lt3A_75 : i1 to i32
      %cond3A_77 = arith.constant 0 : i32
      %cond3A_78 = arith.cmpi ne, %convert_element_type3A_76, %cond3A_77 : i32
      scf.if %cond3A_78 {
        %add3A_79 = arith.constant 2 : i32
        %add3A_80 = arith.addi %add3A_35, %add3A_79 : i32
        %mul3A_81 = arith.constant 128 : i32
        %mul3A_82 = arith.muli %add3A_80, %mul3A_81 : i32
        %add3A_83 = arith.addi %mul3A_4, %mul3A_82 : i32
        %dma_start3A_84 = tpu.memref_slice %arg3[%add3A_83] : memref<320000xi32, #tpu.memory_space<hbm>> -> memref<128xi32, #tpu.memory_space<hbm>>
        %dma_start3A_85 = tpu.memref_slice %arg3[%add3A_83] : memref<320000xi32, #tpu.memory_space<hbm>> -> memref<128xi32, #tpu.memory_space<hbm>>
        tpu.enqueue_dma source(%dma_start3A_85 : memref<128xi32, #tpu.memory_space<hbm>>) target(%arg8 : memref<128xi32, #tpu.memory_space<vmem>>) target_semaphore(%arg22 : memref<!tpu.dma_semaphore, #tpu.memory_space<semaphore_mem>>)
      } else {
      }
      "tpu.region"() ({
        %run_scoped3A = tpu.sem_alloc : memref<!tpu.dma_semaphore, #tpu.memory_space<semaphore_mem>>
        %dma_start3A_79 = arith.constant 0 : i32
        %dma_start3A_80 = arith.constant 0 : i32
        %dma_start3A_81 = tpu.memref_slice %arg16[%dma_start3A_79, %dma_start3A_80] : memref<10000x128xf32, #tpu.memory_space<vmem_shared>> -> memref<10000x128xf32, #tpu.memory_space<vmem_shared>>
        tpu.enqueue_indirect_dma source(%arg14 : memref<128x128xf32, #tpu.memory_space<vmem>>) target(%dma_start3A_81 : memref<10000x128xf32, #tpu.memory_space<vmem_shared>>) offsets(%arg10 : memref<128xi32, #tpu.memory_space<vmem>>) semaphore(%run_scoped3A : memref<!tpu.dma_semaphore, #tpu.memory_space<semaphore_mem>>) {add = true}
        %dma_wait3A_82 = arith.constant 0 : i32
        %dma_wait3A_83 = arith.constant 0 : i32
        %dma_wait3A_84 = tpu.memref_slice %arg16[%dma_wait3A_82, %dma_wait3A_83] : memref<10000x128xf32, #tpu.memory_space<vmem_shared>> -> memref<10000x128xf32, #tpu.memory_space<vmem_shared>>
        tpu.wait_indirect_dma semaphore(%run_scoped3A : memref<!tpu.dma_semaphore, #tpu.memory_space<semaphore_mem>>) src(%arg14 : memref<128x128xf32, #tpu.memory_space<vmem>>) dst(%dma_wait3A_84 : memref<10000x128xf32, #tpu.memory_space<vmem_shared>>)
        tpu.yield
      }) : () -> ()
    }
    %scan3A_17 = arith.constant 39 : i32
    %add3A_18 = arith.constant 9984 : i32
    %add3A_19 = arith.addi %mul3A_4, %add3A_18 : i32
    "tpu.region"() ({
      %run_scoped3A = tpu.sem_alloc : memref<!tpu.dma_semaphore, #tpu.memory_space<semaphore_mem>>
      %dma_start3A_31 = tpu.memref_slice %arg3[%add3A_19] : memref<320000xi32, #tpu.memory_space<hbm>> -> memref<16xi32, #tpu.memory_space<hbm>>
      %dma_start3A_32 = tpu.memref_slice %arg3[%add3A_19] : memref<320000xi32, #tpu.memory_space<hbm>> -> memref<16xi32, #tpu.memory_space<hbm>>
      tpu.enqueue_dma source(%dma_start3A_32 : memref<16xi32, #tpu.memory_space<hbm>>) target(%arg11 : memref<16xi32, #tpu.memory_space<vmem>>) target_semaphore(%run_scoped3A : memref<!tpu.dma_semaphore, #tpu.memory_space<semaphore_mem>>)
      %dma_wait3A_33 = tpu.memref_slice %arg3[%add3A_19] : memref<320000xi32, #tpu.memory_space<hbm>> -> memref<16xi32, #tpu.memory_space<hbm>>
      %dma_wait3A_34 = tpu.memref_slice %arg3[%add3A_19] : memref<320000xi32, #tpu.memory_space<hbm>> -> memref<16xi32, #tpu.memory_space<hbm>>
      tpu.wait_dma2 semaphore(%run_scoped3A : memref<!tpu.dma_semaphore, #tpu.memory_space<semaphore_mem>>) src(%dma_wait3A_34 : memref<16xi32, #tpu.memory_space<hbm>>) dst(%arg11 : memref<16xi32, #tpu.memory_space<vmem>>)
      tpu.yield
    }) : () -> ()
    %dma_start3A_20 = arith.constant 0 : i32
    %dma_start3A_21 = arith.constant 0 : i32
    %dma_start3A_22 = tpu.memref_slice %arg2[%dma_start3A_20, %dma_start3A_21] : memref<10000x128xf32, #tpu.memory_space<hbm>> -> memref<10000x128xf32, #tpu.memory_space<hbm>>
    tpu.enqueue_indirect_dma source(%dma_start3A_22 : memref<10000x128xf32, #tpu.memory_space<hbm>>) target(%arg15 : memref<16x128xf32, #tpu.memory_space<vmem>>) offsets(%arg11 : memref<16xi32, #tpu.memory_space<vmem>>) semaphore(%arg17 : memref<!tpu.dma_semaphore, #tpu.memory_space<semaphore_mem>>)
    %dma_wait3A = arith.constant 0 : i32
    %dma_wait3A_23 = arith.constant 0 : i32
    %dma_wait3A_24 = tpu.memref_slice %arg2[%dma_wait3A, %dma_wait3A_23] : memref<10000x128xf32, #tpu.memory_space<hbm>> -> memref<10000x128xf32, #tpu.memory_space<hbm>>
    tpu.wait_indirect_dma semaphore(%arg17 : memref<!tpu.dma_semaphore, #tpu.memory_space<semaphore_mem>>) src(%dma_wait3A_24 : memref<10000x128xf32, #tpu.memory_space<hbm>>) dst(%arg15 : memref<16x128xf32, #tpu.memory_space<vmem>>)
    "tpu.region"() ({
      %run_scoped3A = tpu.sem_alloc : memref<!tpu.dma_semaphore, #tpu.memory_space<semaphore_mem>>
      %dma_start3A_31 = tpu.memref_slice %arg4[%add3A_19] : memref<320000xi32, #tpu.memory_space<hbm>> -> memref<16xi32, #tpu.memory_space<hbm>>
      %dma_start3A_32 = tpu.memref_slice %arg4[%add3A_19] : memref<320000xi32, #tpu.memory_space<hbm>> -> memref<16xi32, #tpu.memory_space<hbm>>
      tpu.enqueue_dma source(%dma_start3A_32 : memref<16xi32, #tpu.memory_space<hbm>>) target(%arg12 : memref<16xi32, #tpu.memory_space<vmem>>) target_semaphore(%run_scoped3A : memref<!tpu.dma_semaphore, #tpu.memory_space<semaphore_mem>>)
      %dma_wait3A_33 = tpu.memref_slice %arg4[%add3A_19] : memref<320000xi32, #tpu.memory_space<hbm>> -> memref<16xi32, #tpu.memory_space<hbm>>
      %dma_wait3A_34 = tpu.memref_slice %arg4[%add3A_19] : memref<320000xi32, #tpu.memory_space<hbm>> -> memref<16xi32, #tpu.memory_space<hbm>>
      tpu.wait_dma2 semaphore(%run_scoped3A : memref<!tpu.dma_semaphore, #tpu.memory_space<semaphore_mem>>) src(%dma_wait3A_34 : memref<16xi32, #tpu.memory_space<hbm>>) dst(%arg12 : memref<16xi32, #tpu.memory_space<vmem>>)
      tpu.yield
    }) : () -> ()
    "tpu.region"() ({
      %run_scoped3A = tpu.sem_alloc : memref<!tpu.dma_semaphore, #tpu.memory_space<semaphore_mem>>
      %dma_start3A_31 = arith.constant 0 : i32
      %dma_start3A_32 = arith.constant 0 : i32
      %dma_start3A_33 = tpu.memref_slice %arg16[%dma_start3A_31, %dma_start3A_32] : memref<10000x128xf32, #tpu.memory_space<vmem_shared>> -> memref<10000x128xf32, #tpu.memory_space<vmem_shared>>
      tpu.enqueue_indirect_dma source(%arg15 : memref<16x128xf32, #tpu.memory_space<vmem>>) target(%dma_start3A_33 : memref<10000x128xf32, #tpu.memory_space<vmem_shared>>) offsets(%arg12 : memref<16xi32, #tpu.memory_space<vmem>>) semaphore(%run_scoped3A : memref<!tpu.dma_semaphore, #tpu.memory_space<semaphore_mem>>) {add = true}
      %dma_wait3A_34 = arith.constant 0 : i32
      %dma_wait3A_35 = arith.constant 0 : i32
      %dma_wait3A_36 = tpu.memref_slice %arg16[%dma_wait3A_34, %dma_wait3A_35] : memref<10000x128xf32, #tpu.memory_space<vmem_shared>> -> memref<10000x128xf32, #tpu.memory_space<vmem_shared>>
      tpu.wait_indirect_dma semaphore(%run_scoped3A : memref<!tpu.dma_semaphore, #tpu.memory_space<semaphore_mem>>) src(%arg15 : memref<16x128xf32, #tpu.memory_space<vmem>>) dst(%dma_wait3A_36 : memref<10000x128xf32, #tpu.memory_space<vmem_shared>>)
      tpu.yield
    }) : () -> ()
    %barrier3A_25 = arith.constant 0 : index
    tpu.barrier barrier_id(%barrier3A_25)
    %eq3A_26 = arith.constant 0 : i32
    %eq3A_27 = arith.cmpi eq, %arg1, %eq3A_26 : i32
    %convert_element_type3A_28 = arith.extui %eq3A_27 : i1 to i32
    %cond3A_29 = arith.constant 0 : i32
    %cond3A_30 = arith.cmpi ne, %convert_element_type3A_28, %cond3A_29 : i32
    scf.if %cond3A_30 {
      "tpu.region"() ({
        %run_scoped3A = tpu.sem_alloc : memref<!tpu.dma_semaphore, #tpu.memory_space<semaphore_mem>>
        %dma_start3A_31 = arith.constant 0 : i32
        %dma_start3A_32 = arith.constant 0 : i32
        %dma_start3A_33 = tpu.memref_slice %arg6[%arg0, %dma_start3A_31, %dma_start3A_32] : memref<2x10000x128xf32, #tpu.memory_space<hbm>> -> memref<1x10000x128xf32, #tpu.memory_space<hbm>>
        %dma_start3A_34 = tpu.memref_squeeze %dma_start3A_33 : memref<1x10000x128xf32, #tpu.memory_space<hbm>> -> memref<10000x128xf32, #tpu.memory_space<hbm>>
        tpu.enqueue_dma source(%arg16 : memref<10000x128xf32, #tpu.memory_space<vmem_shared>>) target(%dma_start3A_34 : memref<10000x128xf32, #tpu.memory_space<hbm>>) target_semaphore(%run_scoped3A : memref<!tpu.dma_semaphore, #tpu.memory_space<semaphore_mem>>)
        %dma_wait3A_35 = arith.constant 0 : i32
        %dma_wait3A_36 = arith.constant 0 : i32
        %dma_wait3A_37 = tpu.memref_slice %arg6[%arg0, %dma_wait3A_35, %dma_wait3A_36] : memref<2x10000x128xf32, #tpu.memory_space<hbm>> -> memref<1x10000x128xf32, #tpu.memory_space<hbm>>
        %dma_wait3A_38 = tpu.memref_squeeze %dma_wait3A_37 : memref<1x10000x128xf32, #tpu.memory_space<hbm>> -> memref<10000x128xf32, #tpu.memory_space<hbm>>
        tpu.wait_dma2 semaphore(%run_scoped3A : memref<!tpu.dma_semaphore, #tpu.memory_space<semaphore_mem>>) src(%arg16 : memref<10000x128xf32, #tpu.memory_space<vmem_shared>>) dst(%dma_wait3A_38 : memref<10000x128xf32, #tpu.memory_space<hbm>>)
        tpu.yield
      }) : () -> ()
    } else {
    }
    return
  }
}

#map = affine_map<(d0, d1) -> (0, 0)>
#map1 = affine_map<(d0, d1) -> (0)>
#map2 = affine_map<(d0, d1) -> (0, 0, 0)>
module attributes {stable_mosaic.version = 14 : i64} {
  func.func @_agg_kernel(%arg0: i32, %arg1: i32, %arg2: memref<10000x128xf32, #tpu.memory_space<hbm>>, %arg3: memref<320000xi32, #tpu.memory_space<hbm>>, %arg4: memref<320000xi32, #tpu.memory_space<hbm>>, %arg5: memref<10000x128xf32, #tpu.memory_space<hbm>>, %arg6: memref<2x10000x128xf32, #tpu.memory_space<hbm>>, %arg7: memref<128xi32, #tpu.memory_space<vmem>>, %arg8: memref<128xi32, #tpu.memory_space<vmem>>, %arg9: memref<128xi32, #tpu.memory_space<vmem>>, %arg10: memref<128xi32, #tpu.memory_space<vmem>>, %arg11: memref<16xi32, #tpu.memory_space<vmem>>, %arg12: memref<16xi32, #tpu.memory_space<vmem>>, %arg13: memref<128x128xf32, #tpu.memory_space<vmem>>, %arg14: memref<128x128xf32, #tpu.memory_space<vmem>>, %arg15: memref<16x128xf32, #tpu.memory_space<vmem>>, %arg16: memref<10000x128xf32, #tpu.memory_space<vmem_shared>>, %arg17: memref<!tpu.dma_semaphore, #tpu.memory_space<semaphore_mem>>, %arg18: memref<!tpu.dma_semaphore, #tpu.memory_space<semaphore_mem>>, %arg19: memref<!tpu.dma_semaphore, #tpu.memory_space<semaphore_mem>>, %arg20: memref<!tpu.dma_semaphore, #tpu.memory_space<semaphore_mem>>, %arg21: memref<!tpu.dma_semaphore, #tpu.memory_space<semaphore_mem>>, %arg22: memref<!tpu.dma_semaphore, #tpu.memory_space<semaphore_mem>>) attributes {dimension_semantics = [#tpu.dimension_semantics<core_parallel>, #tpu.dimension_semantics<subcore_parallel>], iteration_bounds = array<i64: 2, 16>, scalar_prefetch = 0 : i64, scratch_operands = 16 : i64, tpu.core_type = #tpu.core_type<sc_vector_subcore>, window_params = [{transform_indices = #map}, {transform_indices = #map1}, {transform_indices = #map1}, {transform_indices = #map}, {transform_indices = #map2}]} {
    %mul3A = arith.constant 16 : i32
    %mul3A_0 = arith.muli %arg0, %mul3A : i32
    %add3A = arith.addi %mul3A_0, %arg1 : i32
    %eq3A = arith.constant 0 : i32
    %eq3A_1 = arith.cmpi eq, %arg1, %eq3A : i32
    %convert_element_type3A = arith.extui %eq3A_1 : i1 to i32
    %cond3A = arith.constant 0 : i32
    %cond3A_2 = arith.cmpi ne, %convert_element_type3A, %cond3A : i32
    scf.if %cond3A_2 {
      "tpu.region"() ({
        %run_scoped3A = tpu.sem_alloc : memref<!tpu.dma_semaphore, #tpu.memory_space<semaphore_mem>>
        tpu.enqueue_dma source(%arg5 : memref<10000x128xf32, #tpu.memory_space<hbm>>) target(%arg16 : memref<10000x128xf32, #tpu.memory_space<vmem_shared>>) target_semaphore(%run_scoped3A : memref<!tpu.dma_semaphore, #tpu.memory_space<semaphore_mem>>)
        tpu.wait_dma2 semaphore(%run_scoped3A : memref<!tpu.dma_semaphore, #tpu.memory_space<semaphore_mem>>) src(%arg5 : memref<10000x128xf32, #tpu.memory_space<hbm>>) dst(%arg16 : memref<10000x128xf32, #tpu.memory_space<vmem_shared>>)
        tpu.yield
      }) : () -> ()
    } else {
    }
    %barrier3A = arith.constant 0 : index
    tpu.barrier barrier_id(%barrier3A)
    %mul3A_3 = arith.constant 10000 : i32
    %mul3A_4 = arith.muli %add3A, %mul3A_3 : i32
    "tpu.region"() ({
      %run_scoped3A = tpu.sem_alloc : memref<!tpu.dma_semaphore, #tpu.memory_space<semaphore_mem>>
      %dma_start3A_31 = tpu.memref_slice %arg3[%mul3A_4] : memref<320000xi32, #tpu.memory_space<hbm>> -> memref<128xi32, #tpu.memory_space<hbm>>
      %dma_start3A_32 = tpu.memref_slice %arg3[%mul3A_4] : memref<320000xi32, #tpu.memory_space<hbm>> -> memref<128xi32, #tpu.memory_space<hbm>>
      tpu.enqueue_dma source(%dma_start3A_32 : memref<128xi32, #tpu.memory_space<hbm>>) target(%arg7 : memref<128xi32, #tpu.memory_space<vmem>>) target_semaphore(%run_scoped3A : memref<!tpu.dma_semaphore, #tpu.memory_space<semaphore_mem>>)
      %dma_wait3A_33 = tpu.memref_slice %arg3[%mul3A_4] : memref<320000xi32, #tpu.memory_space<hbm>> -> memref<128xi32, #tpu.memory_space<hbm>>
      %dma_wait3A_34 = tpu.memref_slice %arg3[%mul3A_4] : memref<320000xi32, #tpu.memory_space<hbm>> -> memref<128xi32, #tpu.memory_space<hbm>>
      tpu.wait_dma2 semaphore(%run_scoped3A : memref<!tpu.dma_semaphore, #tpu.memory_space<semaphore_mem>>) src(%dma_wait3A_34 : memref<128xi32, #tpu.memory_space<hbm>>) dst(%arg7 : memref<128xi32, #tpu.memory_space<vmem>>)
      tpu.yield
    }) : () -> ()
    %dma_start3A = arith.constant 0 : i32
    %dma_start3A_5 = arith.constant 0 : i32
    %dma_start3A_6 = tpu.memref_slice %arg2[%dma_start3A, %dma_start3A_5] : memref<10000x128xf32, #tpu.memory_space<hbm>> -> memref<10000x128xf32, #tpu.memory_space<hbm>>
    tpu.enqueue_indirect_dma source(%dma_start3A_6 : memref<10000x128xf32, #tpu.memory_space<hbm>>) target(%arg13 : memref<128x128xf32, #tpu.memory_space<vmem>>) offsets(%arg7 : memref<128xi32, #tpu.memory_space<vmem>>) semaphore(%arg17 : memref<!tpu.dma_semaphore, #tpu.memory_space<semaphore_mem>>)
    %dma_start3A_7 = tpu.memref_slice %arg4[%mul3A_4] : memref<320000xi32, #tpu.memory_space<hbm>> -> memref<128xi32, #tpu.memory_space<hbm>>
    %dma_start3A_8 = tpu.memref_slice %arg4[%mul3A_4] : memref<320000xi32, #tpu.memory_space<hbm>> -> memref<128xi32, #tpu.memory_space<hbm>>
    tpu.enqueue_dma source(%dma_start3A_8 : memref<128xi32, #tpu.memory_space<hbm>>) target(%arg9 : memref<128xi32, #tpu.memory_space<vmem>>) target_semaphore(%arg19 : memref<!tpu.dma_semaphore, #tpu.memory_space<semaphore_mem>>)
    %add3A_9 = arith.constant 128 : i32
    %add3A_10 = arith.addi %mul3A_4, %add3A_9 : i32
    %dma_start3A_11 = tpu.memref_slice %arg3[%add3A_10] : memref<320000xi32, #tpu.memory_space<hbm>> -> memref<128xi32, #tpu.memory_space<hbm>>
    %dma_start3A_12 = tpu.memref_slice %arg3[%add3A_10] : memref<320000xi32, #tpu.memory_space<hbm>> -> memref<128xi32, #tpu.memory_space<hbm>>
    tpu.enqueue_dma source(%dma_start3A_12 : memref<128xi32, #tpu.memory_space<hbm>>) target(%arg8 : memref<128xi32, #tpu.memory_space<vmem>>) target_semaphore(%arg22 : memref<!tpu.dma_semaphore, #tpu.memory_space<semaphore_mem>>)
    %scan3A = arith.constant 0 : i32
    %scan3A_13 = arith.constant 0 : i32
    %scan3A_14 = arith.constant 39 : i32
    %scan3A_15 = arith.addi %scan3A_13, %scan3A_14 : i32
    %scan3A_16 = arith.constant 1 : i32
    scf.for %scan3A_31 = %scan3A_13 to %scan3A_15 step %scan3A_16  : i32 {
      %mul3A_32 = arith.constant 2 : i32
      %mul3A_33 = arith.muli %scan3A_31, %mul3A_32 : i32
      %add3A_34 = arith.constant 1 : i32
      %add3A_35 = arith.addi %mul3A_33, %add3A_34 : i32
      %mul3A_36 = arith.constant 128 : i32
      %mul3A_37 = arith.muli %add3A_35, %mul3A_36 : i32
      %add3A_38 = arith.addi %mul3A_4, %mul3A_37 : i32
      %dma_wait3A_39 = tpu.memref_slice %arg3[%add3A_38] : memref<320000xi32, #tpu.memory_space<hbm>> -> memref<128xi32, #tpu.memory_space<hbm>>
      %dma_wait3A_40 = tpu.memref_slice %arg3[%add3A_38] : memref<320000xi32, #tpu.memory_space<hbm>> -> memref<128xi32, #tpu.memory_space<hbm>>
      tpu.wait_dma2 semaphore(%arg22 : memref<!tpu.dma_semaphore, #tpu.memory_space<semaphore_mem>>) src(%dma_wait3A_40 : memref<128xi32, #tpu.memory_space<hbm>>) dst(%arg8 : memref<128xi32, #tpu.memory_space<vmem>>)
      %dma_start3A_41 = arith.constant 0 : i32
      %dma_start3A_42 = arith.constant 0 : i32
      %dma_start3A_43 = tpu.memref_slice %arg2[%dma_start3A_41, %dma_start3A_42] : memref<10000x128xf32, #tpu.memory_space<hbm>> -> memref<10000x128xf32, #tpu.memory_space<hbm>>
      tpu.enqueue_indirect_dma source(%dma_start3A_43 : memref<10000x128xf32, #tpu.memory_space<hbm>>) target(%arg14 : memref<128x128xf32, #tpu.memory_space<vmem>>) offsets(%arg8 : memref<128xi32, #tpu.memory_space<vmem>>) semaphore(%arg18 : memref<!tpu.dma_semaphore, #tpu.memory_space<semaphore_mem>>)
      %mul3A_44 = arith.constant 128 : i32
      %mul3A_45 = arith.muli %add3A_35, %mul3A_44 : i32
      %add3A_46 = arith.addi %mul3A_4, %mul3A_45 : i32
      %dma_start3A_47 = tpu.memref_slice %arg4[%add3A_46] : memref<320000xi32, #tpu.memory_space<hbm>> -> memref<128xi32, #tpu.memory_space<hbm>>
      %dma_start3A_48 = tpu.memref_slice %arg4[%add3A_46] : memref<320000xi32, #tpu.memory_space<hbm>> -> memref<128xi32, #tpu.memory_space<hbm>>
      tpu.enqueue_dma source(%dma_start3A_48 : memref<128xi32, #tpu.memory_space<hbm>>) target(%arg10 : memref<128xi32, #tpu.memory_space<vmem>>) target_semaphore(%arg20 : memref<!tpu.dma_semaphore, #tpu.memory_space<semaphore_mem>>)
      %dma_wait3A_49 = arith.constant 0 : i32
      %dma_wait3A_50 = arith.constant 0 : i32
      %dma_wait3A_51 = tpu.memref_slice %arg2[%dma_wait3A_49, %dma_wait3A_50] : memref<10000x128xf32, #tpu.memory_space<hbm>> -> memref<10000x128xf32, #tpu.memory_space<hbm>>
      tpu.wait_indirect_dma semaphore(%arg17 : memref<!tpu.dma_semaphore, #tpu.memory_space<semaphore_mem>>) src(%dma_wait3A_51 : memref<10000x128xf32, #tpu.memory_space<hbm>>) dst(%arg13 : memref<128x128xf32, #tpu.memory_space<vmem>>)
      %lt3A = arith.constant 38 : i32
      %lt3A_52 = arith.cmpi slt, %scan3A_31, %lt3A : i32
      %convert_element_type3A_53 = arith.extui %lt3A_52 : i1 to i32
      %cond3A_54 = arith.constant 0 : i32
      %cond3A_55 = arith.cmpi ne, %convert_element_type3A_53, %cond3A_54 : i32
      scf.if %cond3A_55 {
        %add3A_79 = arith.constant 2 : i32
        %add3A_80 = arith.addi %mul3A_33, %add3A_79 : i32
        %mul3A_81 = arith.constant 128 : i32
        %mul3A_82 = arith.muli %add3A_80, %mul3A_81 : i32
        %add3A_83 = arith.addi %mul3A_4, %mul3A_82 : i32
        %dma_start3A_84 = tpu.memref_slice %arg3[%add3A_83] : memref<320000xi32, #tpu.memory_space<hbm>> -> memref<128xi32, #tpu.memory_space<hbm>>
        %dma_start3A_85 = tpu.memref_slice %arg3[%add3A_83] : memref<320000xi32, #tpu.memory_space<hbm>> -> memref<128xi32, #tpu.memory_space<hbm>>
        tpu.enqueue_dma source(%dma_start3A_85 : memref<128xi32, #tpu.memory_space<hbm>>) target(%arg7 : memref<128xi32, #tpu.memory_space<vmem>>) target_semaphore(%arg21 : memref<!tpu.dma_semaphore, #tpu.memory_space<semaphore_mem>>)
      } else {
      }
      %mul3A_56 = arith.constant 128 : i32
      %mul3A_57 = arith.muli %mul3A_33, %mul3A_56 : i32
      %add3A_58 = arith.addi %mul3A_4, %mul3A_57 : i32
      %dma_wait3A_59 = tpu.memref_slice %arg4[%add3A_58] : memref<320000xi32, #tpu.memory_space<hbm>> -> memref<128xi32, #tpu.memory_space<hbm>>
      %dma_wait3A_60 = tpu.memref_slice %arg4[%add3A_58] : memref<320000xi32, #tpu.memory_space<hbm>> -> memref<128xi32, #tpu.memory_space<hbm>>
      tpu.wait_dma2 semaphore(%arg19 : memref<!tpu.dma_semaphore, #tpu.memory_space<semaphore_mem>>) src(%dma_wait3A_60 : memref<128xi32, #tpu.memory_space<hbm>>) dst(%arg9 : memref<128xi32, #tpu.memory_space<vmem>>)
      "tpu.region"() ({
        %run_scoped3A = tpu.sem_alloc : memref<!tpu.dma_semaphore, #tpu.memory_space<semaphore_mem>>
        %dma_start3A_79 = arith.constant 0 : i32
        %dma_start3A_80 = arith.constant 0 : i32
        %dma_start3A_81 = tpu.memref_slice %arg16[%dma_start3A_79, %dma_start3A_80] : memref<10000x128xf32, #tpu.memory_space<vmem_shared>> -> memref<10000x128xf32, #tpu.memory_space<vmem_shared>>
        tpu.enqueue_indirect_dma source(%arg13 : memref<128x128xf32, #tpu.memory_space<vmem>>) target(%dma_start3A_81 : memref<10000x128xf32, #tpu.memory_space<vmem_shared>>) offsets(%arg9 : memref<128xi32, #tpu.memory_space<vmem>>) semaphore(%run_scoped3A : memref<!tpu.dma_semaphore, #tpu.memory_space<semaphore_mem>>) {add = true}
        %dma_wait3A_82 = arith.constant 0 : i32
        %dma_wait3A_83 = arith.constant 0 : i32
        %dma_wait3A_84 = tpu.memref_slice %arg16[%dma_wait3A_82, %dma_wait3A_83] : memref<10000x128xf32, #tpu.memory_space<vmem_shared>> -> memref<10000x128xf32, #tpu.memory_space<vmem_shared>>
        tpu.wait_indirect_dma semaphore(%run_scoped3A : memref<!tpu.dma_semaphore, #tpu.memory_space<semaphore_mem>>) src(%arg13 : memref<128x128xf32, #tpu.memory_space<vmem>>) dst(%dma_wait3A_84 : memref<10000x128xf32, #tpu.memory_space<vmem_shared>>)
        tpu.yield
      }) : () -> ()
      %lt3A_61 = arith.constant 38 : i32
      %lt3A_62 = arith.cmpi slt, %scan3A_31, %lt3A_61 : i32
      %convert_element_type3A_63 = arith.extui %lt3A_62 : i1 to i32
      %cond3A_64 = arith.constant 0 : i32
      %cond3A_65 = arith.cmpi ne, %convert_element_type3A_63, %cond3A_64 : i32
      scf.if %cond3A_65 {
        %add3A_79 = arith.constant 2 : i32
        %add3A_80 = arith.addi %mul3A_33, %add3A_79 : i32
        %mul3A_81 = arith.constant 128 : i32
        %mul3A_82 = arith.muli %add3A_80, %mul3A_81 : i32
        %add3A_83 = arith.addi %mul3A_4, %mul3A_82 : i32
        %dma_wait3A_84 = tpu.memref_slice %arg3[%add3A_83] : memref<320000xi32, #tpu.memory_space<hbm>> -> memref<128xi32, #tpu.memory_space<hbm>>
        %dma_wait3A_85 = tpu.memref_slice %arg3[%add3A_83] : memref<320000xi32, #tpu.memory_space<hbm>> -> memref<128xi32, #tpu.memory_space<hbm>>
        tpu.wait_dma2 semaphore(%arg21 : memref<!tpu.dma_semaphore, #tpu.memory_space<semaphore_mem>>) src(%dma_wait3A_85 : memref<128xi32, #tpu.memory_space<hbm>>) dst(%arg7 : memref<128xi32, #tpu.memory_space<vmem>>)
        %dma_start3A_86 = arith.constant 0 : i32
        %dma_start3A_87 = arith.constant 0 : i32
        %dma_start3A_88 = tpu.memref_slice %arg2[%dma_start3A_86, %dma_start3A_87] : memref<10000x128xf32, #tpu.memory_space<hbm>> -> memref<10000x128xf32, #tpu.memory_space<hbm>>
        tpu.enqueue_indirect_dma source(%dma_start3A_88 : memref<10000x128xf32, #tpu.memory_space<hbm>>) target(%arg13 : memref<128x128xf32, #tpu.memory_space<vmem>>) offsets(%arg7 : memref<128xi32, #tpu.memory_space<vmem>>) semaphore(%arg17 : memref<!tpu.dma_semaphore, #tpu.memory_space<semaphore_mem>>)
        %add3A_89 = arith.constant 2 : i32
        %add3A_90 = arith.addi %mul3A_33, %add3A_89 : i32
        %mul3A_91 = arith.constant 128 : i32
        %mul3A_92 = arith.muli %add3A_90, %mul3A_91 : i32
        %add3A_93 = arith.addi %mul3A_4, %mul3A_92 : i32
        %dma_start3A_94 = tpu.memref_slice %arg4[%add3A_93] : memref<320000xi32, #tpu.memory_space<hbm>> -> memref<128xi32, #tpu.memory_space<hbm>>
        %dma_start3A_95 = tpu.memref_slice %arg4[%add3A_93] : memref<320000xi32, #tpu.memory_space<hbm>> -> memref<128xi32, #tpu.memory_space<hbm>>
        tpu.enqueue_dma source(%dma_start3A_95 : memref<128xi32, #tpu.memory_space<hbm>>) target(%arg9 : memref<128xi32, #tpu.memory_space<vmem>>) target_semaphore(%arg19 : memref<!tpu.dma_semaphore, #tpu.memory_space<semaphore_mem>>)
      } else {
      }
      %mul3A_66 = arith.constant 128 : i32
      %mul3A_67 = arith.muli %add3A_35, %mul3A_66 : i32
      %add3A_68 = arith.addi %mul3A_4, %mul3A_67 : i32
      %dma_wait3A_69 = tpu.memref_slice %arg4[%add3A_68] : memref<320000xi32, #tpu.memory_space<hbm>> -> memref<128xi32, #tpu.memory_space<hbm>>
      %dma_wait3A_70 = tpu.memref_slice %arg4[%add3A_68] : memref<320000xi32, #tpu.memory_space<hbm>> -> memref<128xi32, #tpu.memory_space<hbm>>
      tpu.wait_dma2 semaphore(%arg20 : memref<!tpu.dma_semaphore, #tpu.memory_space<semaphore_mem>>) src(%dma_wait3A_70 : memref<128xi32, #tpu.memory_space<hbm>>) dst(%arg10 : memref<128xi32, #tpu.memory_space<vmem>>)
      %dma_wait3A_71 = arith.constant 0 : i32
      %dma_wait3A_72 = arith.constant 0 : i32
      %dma_wait3A_73 = tpu.memref_slice %arg2[%dma_wait3A_71, %dma_wait3A_72] : memref<10000x128xf32, #tpu.memory_space<hbm>> -> memref<10000x128xf32, #tpu.memory_space<hbm>>
      tpu.wait_indirect_dma semaphore(%arg18 : memref<!tpu.dma_semaphore, #tpu.memory_space<semaphore_mem>>) src(%dma_wait3A_73 : memref<10000x128xf32, #tpu.memory_space<hbm>>) dst(%arg14 : memref<128x128xf32, #tpu.memory_space<vmem>>)
      %lt3A_74 = arith.constant 38 : i32
      %lt3A_75 = arith.cmpi slt, %scan3A_31, %lt3A_74 : i32
      %convert_element_type3A_76 = arith.extui %lt3A_75 : i1 to i32
      %cond3A_77 = arith.constant 0 : i32
      %cond3A_78 = arith.cmpi ne, %convert_element_type3A_76, %cond3A_77 : i32
      scf.if %cond3A_78 {
        %add3A_79 = arith.constant 2 : i32
        %add3A_80 = arith.addi %add3A_35, %add3A_79 : i32
        %mul3A_81 = arith.constant 128 : i32
        %mul3A_82 = arith.muli %add3A_80, %mul3A_81 : i32
        %add3A_83 = arith.addi %mul3A_4, %mul3A_82 : i32
        %dma_start3A_84 = tpu.memref_slice %arg3[%add3A_83] : memref<320000xi32, #tpu.memory_space<hbm>> -> memref<128xi32, #tpu.memory_space<hbm>>
        %dma_start3A_85 = tpu.memref_slice %arg3[%add3A_83] : memref<320000xi32, #tpu.memory_space<hbm>> -> memref<128xi32, #tpu.memory_space<hbm>>
        tpu.enqueue_dma source(%dma_start3A_85 : memref<128xi32, #tpu.memory_space<hbm>>) target(%arg8 : memref<128xi32, #tpu.memory_space<vmem>>) target_semaphore(%arg22 : memref<!tpu.dma_semaphore, #tpu.memory_space<semaphore_mem>>)
      } else {
      }
      "tpu.region"() ({
        %run_scoped3A = tpu.sem_alloc : memref<!tpu.dma_semaphore, #tpu.memory_space<semaphore_mem>>
        %dma_start3A_79 = arith.constant 0 : i32
        %dma_start3A_80 = arith.constant 0 : i32
        %dma_start3A_81 = tpu.memref_slice %arg16[%dma_start3A_79, %dma_start3A_80] : memref<10000x128xf32, #tpu.memory_space<vmem_shared>> -> memref<10000x128xf32, #tpu.memory_space<vmem_shared>>
        tpu.enqueue_indirect_dma source(%arg14 : memref<128x128xf32, #tpu.memory_space<vmem>>) target(%dma_start3A_81 : memref<10000x128xf32, #tpu.memory_space<vmem_shared>>) offsets(%arg10 : memref<128xi32, #tpu.memory_space<vmem>>) semaphore(%run_scoped3A : memref<!tpu.dma_semaphore, #tpu.memory_space<semaphore_mem>>) {add = true}
        %dma_wait3A_82 = arith.constant 0 : i32
        %dma_wait3A_83 = arith.constant 0 : i32
        %dma_wait3A_84 = tpu.memref_slice %arg16[%dma_wait3A_82, %dma_wait3A_83] : memref<10000x128xf32, #tpu.memory_space<vmem_shared>> -> memref<10000x128xf32, #tpu.memory_space<vmem_shared>>
        tpu.wait_indirect_dma semaphore(%run_scoped3A : memref<!tpu.dma_semaphore, #tpu.memory_space<semaphore_mem>>) src(%arg14 : memref<128x128xf32, #tpu.memory_space<vmem>>) dst(%dma_wait3A_84 : memref<10000x128xf32, #tpu.memory_space<vmem_shared>>)
        tpu.yield
      }) : () -> ()
    }
    %scan3A_17 = arith.constant 39 : i32
    %add3A_18 = arith.constant 9984 : i32
    %add3A_19 = arith.addi %mul3A_4, %add3A_18 : i32
    "tpu.region"() ({
      %run_scoped3A = tpu.sem_alloc : memref<!tpu.dma_semaphore, #tpu.memory_space<semaphore_mem>>
      %dma_start3A_31 = tpu.memref_slice %arg3[%add3A_19] : memref<320000xi32, #tpu.memory_space<hbm>> -> memref<16xi32, #tpu.memory_space<hbm>>
      %dma_start3A_32 = tpu.memref_slice %arg3[%add3A_19] : memref<320000xi32, #tpu.memory_space<hbm>> -> memref<16xi32, #tpu.memory_space<hbm>>
      tpu.enqueue_dma source(%dma_start3A_32 : memref<16xi32, #tpu.memory_space<hbm>>) target(%arg11 : memref<16xi32, #tpu.memory_space<vmem>>) target_semaphore(%run_scoped3A : memref<!tpu.dma_semaphore, #tpu.memory_space<semaphore_mem>>)
      %dma_wait3A_33 = tpu.memref_slice %arg3[%add3A_19] : memref<320000xi32, #tpu.memory_space<hbm>> -> memref<16xi32, #tpu.memory_space<hbm>>
      %dma_wait3A_34 = tpu.memref_slice %arg3[%add3A_19] : memref<320000xi32, #tpu.memory_space<hbm>> -> memref<16xi32, #tpu.memory_space<hbm>>
      tpu.wait_dma2 semaphore(%run_scoped3A : memref<!tpu.dma_semaphore, #tpu.memory_space<semaphore_mem>>) src(%dma_wait3A_34 : memref<16xi32, #tpu.memory_space<hbm>>) dst(%arg11 : memref<16xi32, #tpu.memory_space<vmem>>)
      tpu.yield
    }) : () -> ()
    %dma_start3A_20 = arith.constant 0 : i32
    %dma_start3A_21 = arith.constant 0 : i32
    %dma_start3A_22 = tpu.memref_slice %arg2[%dma_start3A_20, %dma_start3A_21] : memref<10000x128xf32, #tpu.memory_space<hbm>> -> memref<10000x128xf32, #tpu.memory_space<hbm>>
    tpu.enqueue_indirect_dma source(%dma_start3A_22 : memref<10000x128xf32, #tpu.memory_space<hbm>>) target(%arg15 : memref<16x128xf32, #tpu.memory_space<vmem>>) offsets(%arg11 : memref<16xi32, #tpu.memory_space<vmem>>) semaphore(%arg17 : memref<!tpu.dma_semaphore, #tpu.memory_space<semaphore_mem>>)
    %dma_wait3A = arith.constant 0 : i32
    %dma_wait3A_23 = arith.constant 0 : i32
    %dma_wait3A_24 = tpu.memref_slice %arg2[%dma_wait3A, %dma_wait3A_23] : memref<10000x128xf32, #tpu.memory_space<hbm>> -> memref<10000x128xf32, #tpu.memory_space<hbm>>
    tpu.wait_indirect_dma semaphore(%arg17 : memref<!tpu.dma_semaphore, #tpu.memory_space<semaphore_mem>>) src(%dma_wait3A_24 : memref<10000x128xf32, #tpu.memory_space<hbm>>) dst(%arg15 : memref<16x128xf32, #tpu.memory_space<vmem>>)
    "tpu.region"() ({
      %run_scoped3A = tpu.sem_alloc : memref<!tpu.dma_semaphore, #tpu.memory_space<semaphore_mem>>
      %dma_start3A_31 = tpu.memref_slice %arg4[%add3A_19] : memref<320000xi32, #tpu.memory_space<hbm>> -> memref<16xi32, #tpu.memory_space<hbm>>
      %dma_start3A_32 = tpu.memref_slice %arg4[%add3A_19] : memref<320000xi32, #tpu.memory_space<hbm>> -> memref<16xi32, #tpu.memory_space<hbm>>
      tpu.enqueue_dma source(%dma_start3A_32 : memref<16xi32, #tpu.memory_space<hbm>>) target(%arg12 : memref<16xi32, #tpu.memory_space<vmem>>) target_semaphore(%run_scoped3A : memref<!tpu.dma_semaphore, #tpu.memory_space<semaphore_mem>>)
      %dma_wait3A_33 = tpu.memref_slice %arg4[%add3A_19] : memref<320000xi32, #tpu.memory_space<hbm>> -> memref<16xi32, #tpu.memory_space<hbm>>
      %dma_wait3A_34 = tpu.memref_slice %arg4[%add3A_19] : memref<320000xi32, #tpu.memory_space<hbm>> -> memref<16xi32, #tpu.memory_space<hbm>>
      tpu.wait_dma2 semaphore(%run_scoped3A : memref<!tpu.dma_semaphore, #tpu.memory_space<semaphore_mem>>) src(%dma_wait3A_34 : memref<16xi32, #tpu.memory_space<hbm>>) dst(%arg12 : memref<16xi32, #tpu.memory_space<vmem>>)
      tpu.yield
    }) : () -> ()
    "tpu.region"() ({
      %run_scoped3A = tpu.sem_alloc : memref<!tpu.dma_semaphore, #tpu.memory_space<semaphore_mem>>
      %dma_start3A_31 = arith.constant 0 : i32
      %dma_start3A_32 = arith.constant 0 : i32
      %dma_start3A_33 = tpu.memref_slice %arg16[%dma_start3A_31, %dma_start3A_32] : memref<10000x128xf32, #tpu.memory_space<vmem_shared>> -> memref<10000x128xf32, #tpu.memory_space<vmem_shared>>
      tpu.enqueue_indirect_dma source(%arg15 : memref<16x128xf32, #tpu.memory_space<vmem>>) target(%dma_start3A_33 : memref<10000x128xf32, #tpu.memory_space<vmem_shared>>) offsets(%arg12 : memref<16xi32, #tpu.memory_space<vmem>>) semaphore(%run_scoped3A : memref<!tpu.dma_semaphore, #tpu.memory_space<semaphore_mem>>) {add = true}
      %dma_wait3A_34 = arith.constant 0 : i32
      %dma_wait3A_35 = arith.constant 0 : i32
      %dma_wait3A_36 = tpu.memref_slice %arg16[%dma_wait3A_34, %dma_wait3A_35] : memref<10000x128xf32, #tpu.memory_space<vmem_shared>> -> memref<10000x128xf32, #tpu.memory_space<vmem_shared>>
      tpu.wait_indirect_dma semaphore(%run_scoped3A : memref<!tpu.dma_semaphore, #tpu.memory_space<semaphore_mem>>) src(%arg15 : memref<16x128xf32, #tpu.memory_space<vmem>>) dst(%dma_wait3A_36 : memref<10000x128xf32, #tpu.memory_space<vmem_shared>>)
      tpu.yield
    }) : () -> ()
    %barrier3A_25 = arith.constant 0 : index
    tpu.barrier barrier_id(%barrier3A_25)
    %eq3A_26 = arith.constant 0 : i32
    %eq3A_27 = arith.cmpi eq, %arg1, %eq3A_26 : i32
    %convert_element_type3A_28 = arith.extui %eq3A_27 : i1 to i32
    %cond3A_29 = arith.constant 0 : i32
    %cond3A_30 = arith.cmpi ne, %convert_element_type3A_28, %cond3A_29 : i32
    scf.if %cond3A_30 {
      "tpu.region"() ({
        %run_scoped3A = tpu.sem_alloc : memref<!tpu.dma_semaphore, #tpu.memory_space<semaphore_mem>>
        %dma_start3A_31 = arith.constant 0 : i32
        %dma_start3A_32 = arith.constant 0 : i32
        %dma_start3A_33 = tpu.memref_slice %arg6[%arg0, %dma_start3A_31, %dma_start3A_32] : memref<2x10000x128xf32, #tpu.memory_space<hbm>> -> memref<1x10000x128xf32, #tpu.memory_space<hbm>>
        %dma_start3A_34 = tpu.memref_squeeze %dma_start3A_33 : memref<1x10000x128xf32, #tpu.memory_space<hbm>> -> memref<10000x128xf32, #tpu.memory_space<hbm>>
        tpu.enqueue_dma source(%arg16 : memref<10000x128xf32, #tpu.memory_space<vmem_shared>>) target(%dma_start3A_34 : memref<10000x128xf32, #tpu.memory_space<hbm>>) target_semaphore(%run_scoped3A : memref<!tpu.dma_semaphore, #tpu.memory_space<semaphore_mem>>)
        %dma_wait3A_35 = arith.constant 0 : i32
        %dma_wait3A_36 = arith.constant 0 : i32
        %dma_wait3A_37 = tpu.memref_slice %arg6[%arg0, %dma_wait3A_35, %dma_wait3A_36] : memref<2x10000x128xf32, #tpu.memory_space<hbm>> -> memref<1x10000x128xf32, #tpu.memory_space<hbm>>
        %dma_wait3A_38 = tpu.memref_squeeze %dma_wait3A_37 : memref<1x10000x128xf32, #tpu.memory_space<hbm>> -> memref<10000x128xf32, #tpu.memory_space<hbm>>
        tpu.wait_dma2 semaphore(%run_scoped3A : memref<!tpu.dma_semaphore, #tpu.memory_space<semaphore_mem>>) src(%arg16 : memref<10000x128xf32, #tpu.memory_space<vmem_shared>>) dst(%dma_wait3A_38 : memref<10000x128xf32, #tpu.memory_space<hbm>>)
        tpu.yield
      }) : () -> ()
    } else {
    }
    return
  }
}

module attributes {stable_mosaic.version = 14 : i64} {
  func.func @_scale_body(%arg0: memref<10000x2xf32, #tpu.memory_space<vmem>>, %arg1: memref<10000x128xf32, #tpu.memory_space<vmem>>, %arg2: memref<10000x128xf32, #tpu.memory_space<vmem>>) attributes {dimension_semantics = [], scalar_prefetch = 0 : i64, scratch_operands = 0 : i64, tpu.core_type = #tpu.core_type<tc>} {
    %get3A = arith.constant 0 : index
    %get3A_0 = arith.constant 0 : index
    %get3A_1 = vector.load %arg0[%get3A, %get3A_0] : memref<10000x2xf32, #tpu.memory_space<vmem>>, vector<10000x1xf32>
    %get3A_2 = arith.constant 0 : index
    %get3A_3 = arith.constant 1 : index
    %get3A_4 = vector.load %arg0[%get3A_2, %get3A_3] : memref<10000x2xf32, #tpu.memory_space<vmem>>, vector<10000x1xf32>
    %add3A = arith.addf %get3A_1, %get3A_4 : vector<10000x1xf32>
    %add3A_5 = arith.constant 1.000000e+00 : f32
    %add3A_6 = vector.broadcast %add3A_5 : f32 to vector<10000x1xf32>
    %add3A_7 = arith.addf %add3A, %add3A_6 : vector<10000x1xf32>
    %rsqrt3A = math.rsqrt %add3A_7 : vector<10000x1xf32>
    %get3A_8 = arith.constant 0 : index
    %get3A_9 = arith.constant 0 : index
    %get3A_10 = vector.load %arg1[%get3A_8, %get3A_9] : memref<10000x128xf32, #tpu.memory_space<vmem>>, vector<10000x128xf32>
    %mul3A = vector.broadcast %rsqrt3A : vector<10000x1xf32> to vector<10000x128xf32>
    %mul3A_11 = arith.mulf %get3A_10, %mul3A : vector<10000x128xf32>
    %swap3A = arith.constant 0 : index
    %swap3A_12 = arith.constant 0 : index
    %swap3A_13 = vector.load %arg2[%swap3A, %swap3A_12] : memref<10000x128xf32, #tpu.memory_space<vmem>>, vector<10000x128xf32>
    tpu.vector_store %arg2[%swap3A, %swap3A_12], %mul3A_11 {strides = array<i32>} : memref<10000x128xf32, #tpu.memory_space<vmem>>, vector<10000x128xf32>,
    return
  }
}

module attributes {stable_mosaic.version = 14 : i64} {
  func.func @_layer_body(%arg0: memref<2x10000x128xf32, #tpu.memory_space<vmem>>, %arg1: memref<10000x2xf32, #tpu.memory_space<vmem>>, %arg2: memref<10000x128xf32, #tpu.memory_space<vmem>>, %arg3: memref<128x128xf32, #tpu.memory_space<vmem>>, %arg4: memref<128xf32, #tpu.memory_space<vmem>>, %arg5: memref<10000x128xf32, #tpu.memory_space<vmem>>, %arg6: memref<10000x128xf32, #tpu.memory_space<vmem>>) attributes {dimension_semantics = [], scalar_prefetch = 0 : i64, scratch_operands = 0 : i64, tpu.core_type = #tpu.core_type<tc>} {
    %get3A = arith.constant 0 : index
    %get3A_0 = arith.constant 0 : index
    %get3A_1 = vector.load %arg1[%get3A, %get3A_0] : memref<10000x2xf32, #tpu.memory_space<vmem>>, vector<10000x1xf32>
    %get3A_2 = arith.constant 0 : index
    %get3A_3 = arith.constant 1 : index
    %get3A_4 = vector.load %arg1[%get3A_2, %get3A_3] : memref<10000x2xf32, #tpu.memory_space<vmem>>, vector<10000x1xf32>
    %add3A = arith.addf %get3A_1, %get3A_4 : vector<10000x1xf32>
    %add3A_5 = arith.constant 1.000000e+00 : f32
    %add3A_6 = vector.broadcast %add3A_5 : f32 to vector<10000x1xf32>
    %add3A_7 = arith.addf %add3A, %add3A_6 : vector<10000x1xf32>
    %rsqrt3A = math.rsqrt %add3A_7 : vector<10000x1xf32>
    %get3A_8 = arith.constant 0 : index
    %get3A_9 = arith.constant 0 : index
    %get3A_10 = arith.constant 0 : index
    %get3A_11 = vector.load %arg0[%get3A_8, %get3A_9, %get3A_10] : memref<2x10000x128xf32, #tpu.memory_space<vmem>>, vector<1x10000x128xf32>
    %get3A_12 = vector.shape_cast %get3A_11 : vector<1x10000x128xf32> to vector<10000x128xf32>
    %get3A_13 = arith.constant 1 : index
    %get3A_14 = arith.constant 0 : index
    %get3A_15 = arith.constant 0 : index
    %get3A_16 = vector.load %arg0[%get3A_13, %get3A_14, %get3A_15] : memref<2x10000x128xf32, #tpu.memory_space<vmem>>, vector<1x10000x128xf32>
    %get3A_17 = vector.shape_cast %get3A_16 : vector<1x10000x128xf32> to vector<10000x128xf32>
    %add3A_18 = arith.addf %get3A_12, %get3A_17 : vector<10000x128xf32>
    %mul3A = vector.broadcast %rsqrt3A : vector<10000x1xf32> to vector<10000x128xf32>
    %mul3A_19 = arith.mulf %mul3A, %add3A_18 : vector<10000x128xf32>
    %mul3A_20 = arith.mulf %rsqrt3A, %rsqrt3A : vector<10000x1xf32>
    %get3A_21 = arith.constant 0 : index
    %get3A_22 = arith.constant 0 : index
    %get3A_23 = vector.load %arg2[%get3A_21, %get3A_22] : memref<10000x128xf32, #tpu.memory_space<vmem>>, vector<10000x128xf32>
    %mul3A_24 = vector.broadcast %mul3A_20 : vector<10000x1xf32> to vector<10000x128xf32>
    %mul3A_25 = arith.mulf %mul3A_24, %get3A_23 : vector<10000x128xf32>
    %add3A_26 = arith.addf %mul3A_19, %mul3A_25 : vector<10000x128xf32>
    %get3A_27 = arith.constant 0 : index
    %get3A_28 = arith.constant 0 : index
    %get3A_29 = vector.load %arg3[%get3A_27, %get3A_28] : memref<128x128xf32, #tpu.memory_space<vmem>>, vector<128x128xf32>
    %dot_general3A = arith.constant dense<0.000000e+00> : vector<10000x128xf32>
    %dot_general3A_30 = tpu.matmul %add3A_26, %get3A_29, %dot_general3A {dimension_numbers = #tpu.dot_dimension_numbers<[1], [0], [0], [1], [0, 0, 1, 1], [], []>, transpose_lhs_hint = false} : vector<10000x128xf32>, vector<128x128xf32>, vector<10000x128xf32> -> vector<10000x128xf32>
    %get3A_31 = arith.constant 0 : index
    %get3A_32 = vector.load %arg4[%get3A_31] : memref<128xf32, #tpu.memory_space<vmem>>, vector<128xf32>
    %broadcast_in_dim3A = vector.shape_cast %get3A_32 : vector<128xf32> to vector<1x128xf32>
    %add3A_33 = vector.broadcast %broadcast_in_dim3A : vector<1x128xf32> to vector<10000x128xf32>
    %add3A_34 = arith.addf %dot_general3A_30, %add3A_33 : vector<10000x128xf32>
    %max3A = arith.constant 0.000000e+00 : f32
    %max3A_35 = vector.broadcast %max3A : f32 to vector<10000x128xf32>
    %max3A_36 = arith.maximumf %add3A_34, %max3A_35 : vector<10000x128xf32>
    %swap3A = arith.constant 0 : index
    %swap3A_37 = arith.constant 0 : index
    %swap3A_38 = vector.load %arg5[%swap3A, %swap3A_37] : memref<10000x128xf32, #tpu.memory_space<vmem>>, vector<10000x128xf32>
    tpu.vector_store %arg5[%swap3A, %swap3A_37], %max3A_36 {strides = array<i32>} : memref<10000x128xf32, #tpu.memory_space<vmem>>, vector<10000x128xf32>,
    %mul3A_39 = vector.broadcast %rsqrt3A : vector<10000x1xf32> to vector<10000x128xf32>
    %mul3A_40 = arith.mulf %max3A_36, %mul3A_39 : vector<10000x128xf32>
    %swap3A_41 = arith.constant 0 : index
    %swap3A_42 = arith.constant 0 : index
    %swap3A_43 = vector.load %arg6[%swap3A_41, %swap3A_42] : memref<10000x128xf32, #tpu.memory_space<vmem>>, vector<10000x128xf32>
    tpu.vector_store %arg6[%swap3A_41, %swap3A_42], %mul3A_40 {strides = array<i32>} : memref<10000x128xf32, #tpu.memory_space<vmem>>, vector<10000x128xf32>,
    return
  }
}

module attributes {stable_mosaic.version = 14 : i64} {
  func.func @_final_body(%arg0: memref<2x10000x128xf32, #tpu.memory_space<vmem>>, %arg1: memref<10000x2xf32, #tpu.memory_space<vmem>>, %arg2: memref<10000x128xf32, #tpu.memory_space<vmem>>, %arg3: memref<128x128xf32, #tpu.memory_space<vmem>>, %arg4: memref<128xf32, #tpu.memory_space<vmem>>, %arg5: memref<1x10000xi32, #tpu.memory_space<vmem>>, %arg6: memref<128x1xf32, #tpu.memory_space<vmem>>, %arg7: memref<1xf32, #tpu.memory_space<vmem>>, %arg8: memref<16x1xf32, #tpu.memory_space<vmem>>) attributes {dimension_semantics = [], scalar_prefetch = 0 : i64, scratch_operands = 0 : i64, tpu.core_type = #tpu.core_type<tc>} {
    %get3A = arith.constant 0 : index
    %get3A_0 = arith.constant 0 : index
    %get3A_1 = vector.load %arg1[%get3A, %get3A_0] : memref<10000x2xf32, #tpu.memory_space<vmem>>, vector<10000x1xf32>
    %get3A_2 = arith.constant 0 : index
    %get3A_3 = arith.constant 1 : index
    %get3A_4 = vector.load %arg1[%get3A_2, %get3A_3] : memref<10000x2xf32, #tpu.memory_space<vmem>>, vector<10000x1xf32>
    %add3A = arith.addf %get3A_1, %get3A_4 : vector<10000x1xf32>
    %add3A_5 = arith.constant 1.000000e+00 : f32
    %add3A_6 = vector.broadcast %add3A_5 : f32 to vector<10000x1xf32>
    %add3A_7 = arith.addf %add3A, %add3A_6 : vector<10000x1xf32>
    %rsqrt3A = math.rsqrt %add3A_7 : vector<10000x1xf32>
    %get3A_8 = arith.constant 0 : index
    %get3A_9 = arith.constant 0 : index
    %get3A_10 = arith.constant 0 : index
    %get3A_11 = vector.load %arg0[%get3A_8, %get3A_9, %get3A_10] : memref<2x10000x128xf32, #tpu.memory_space<vmem>>, vector<1x10000x128xf32>
    %get3A_12 = vector.shape_cast %get3A_11 : vector<1x10000x128xf32> to vector<10000x128xf32>
    %get3A_13 = arith.constant 1 : index
    %get3A_14 = arith.constant 0 : index
    %get3A_15 = arith.constant 0 : index
    %get3A_16 = vector.load %arg0[%get3A_13, %get3A_14, %get3A_15] : memref<2x10000x128xf32, #tpu.memory_space<vmem>>, vector<1x10000x128xf32>
    %get3A_17 = vector.shape_cast %get3A_16 : vector<1x10000x128xf32> to vector<10000x128xf32>
    %add3A_18 = arith.addf %get3A_12, %get3A_17 : vector<10000x128xf32>
    %mul3A = vector.broadcast %rsqrt3A : vector<10000x1xf32> to vector<10000x128xf32>
    %mul3A_19 = arith.mulf %mul3A, %add3A_18 : vector<10000x128xf32>
    %mul3A_20 = arith.mulf %rsqrt3A, %rsqrt3A : vector<10000x1xf32>
    %get3A_21 = arith.constant 0 : index
    %get3A_22 = arith.constant 0 : index
    %get3A_23 = vector.load %arg2[%get3A_21, %get3A_22] : memref<10000x128xf32, #tpu.memory_space<vmem>>, vector<10000x128xf32>
    %mul3A_24 = vector.broadcast %mul3A_20 : vector<10000x1xf32> to vector<10000x128xf32>
    %mul3A_25 = arith.mulf %mul3A_24, %get3A_23 : vector<10000x128xf32>
    %add3A_26 = arith.addf %mul3A_19, %mul3A_25 : vector<10000x128xf32>
    %get3A_27 = arith.constant 0 : index
    %get3A_28 = arith.constant 0 : index
    %get3A_29 = vector.load %arg3[%get3A_27, %get3A_28] : memref<128x128xf32, #tpu.memory_space<vmem>>, vector<128x128xf32>
    %dot_general3A = arith.constant dense<0.000000e+00> : vector<10000x128xf32>
    %dot_general3A_30 = tpu.matmul %add3A_26, %get3A_29, %dot_general3A {dimension_numbers = #tpu.dot_dimension_numbers<[1], [0], [0], [1], [0, 0, 1, 1], [], []>, transpose_lhs_hint = false} : vector<10000x128xf32>, vector<128x128xf32>, vector<10000x128xf32> -> vector<10000x128xf32>
    %get3A_31 = arith.constant 0 : index
    %get3A_32 = vector.load %arg4[%get3A_31] : memref<128xf32, #tpu.memory_space<vmem>>, vector<128xf32>
    %broadcast_in_dim3A = vector.shape_cast %get3A_32 : vector<128xf32> to vector<1x128xf32>
    %add3A_33 = vector.broadcast %broadcast_in_dim3A : vector<1x128xf32> to vector<10000x128xf32>
    %add3A_34 = arith.addf %dot_general3A_30, %add3A_33 : vector<10000x128xf32>
    %max3A = arith.constant 0.000000e+00 : f32
    %max3A_35 = vector.broadcast %max3A : f32 to vector<10000x128xf32>
    %max3A_36 = arith.maximumf %add3A_34, %max3A_35 : vector<10000x128xf32>
    %iota3A = tpu.iota {dimensions = array<i32: 0>} : vector<16x10000xi32>
    %get3A_37 = arith.constant 0 : index
    %get3A_38 = arith.constant 0 : index
    %get3A_39 = vector.load %arg5[%get3A_37, %get3A_38] : memref<1x10000xi32, #tpu.memory_space<vmem>>, vector<1x10000xi32>
    %broadcast_in_dim3A_40 = vector.shape_cast %get3A_39 : vector<1x10000xi32> to vector<1x10000xi32>
    %broadcast_in_dim3A_41 = vector.broadcast %broadcast_in_dim3A_40 : vector<1x10000xi32> to vector<16x10000xi32>
    %eq3A = arith.cmpi eq, %broadcast_in_dim3A_41, %iota3A : vector<16x10000xi32>
    %convert_element_type3A = arith.extui %eq3A : vector<16x10000xi1> to vector<16x10000xi32>
    %convert_element_type3A_42 = arith.sitofp %convert_element_type3A : vector<16x10000xi32> to vector<16x10000xf32>
    %dot_general3A_43 = arith.constant dense<0.000000e+00> : vector<16x128xf32>
    %dot_general3A_44 = tpu.matmul %convert_element_type3A_42, %max3A_36, %dot_general3A_43 {dimension_numbers = #tpu.dot_dimension_numbers<[1], [0], [0], [1], [0, 0, 1, 1], [], []>, transpose_lhs_hint = false} : vector<16x10000xf32>, vector<10000x128xf32>, vector<16x128xf32> -> vector<16x128xf32>
    %reduce_sum3A = arith.constant dense<0.000000e+00> : vector<16xf32>
    %reduce_sum3A_45 = vector.multi_reduction <add>, %convert_element_type3A_42, %reduce_sum3A [1] : vector<16x10000xf32> to vector<16xf32>
    %broadcast_in_dim3A_46 = vector.shape_cast %reduce_sum3A_45 : vector<16xf32> to vector<16x1xf32>
    %max3A_47 = arith.constant 1.000000e+00 : f32
    %max3A_48 = vector.broadcast %max3A_47 : f32 to vector<16x1xf32>
    %max3A_49 = arith.maximumf %broadcast_in_dim3A_46, %max3A_48 : vector<16x1xf32>
    %div3A = vector.broadcast %max3A_49 : vector<16x1xf32> to vector<16x128xf32>
    %div3A_50 = arith.divf %dot_general3A_44, %div3A : vector<16x128xf32>
    %get3A_51 = arith.constant 0 : index
    %get3A_52 = arith.constant 0 : index
    %get3A_53 = vector.load %arg6[%get3A_51, %get3A_52] : memref<128x1xf32, #tpu.memory_space<vmem>>, vector<128x1xf32>
    %dot_general3A_54 = arith.constant dense<0.000000e+00> : vector<16x1xf32>
    %dot_general3A_55 = tpu.matmul %div3A_50, %get3A_53, %dot_general3A_54 {dimension_numbers = #tpu.dot_dimension_numbers<[1], [0], [0], [1], [0, 0, 1, 1], [], []>, transpose_lhs_hint = false} : vector<16x128xf32>, vector<128x1xf32>, vector<16x1xf32> -> vector<16x1xf32>
    %get3A_56 = arith.constant 0 : index
    %get3A_57 = vector.load %arg7[%get3A_56] : memref<1xf32, #tpu.memory_space<vmem>>, vector<1xf32>
    %broadcast_in_dim3A_58 = vector.shape_cast %get3A_57 : vector<1xf32> to vector<1x1xf32>
    %add3A_59 = vector.broadcast %broadcast_in_dim3A_58 : vector<1x1xf32> to vector<16x1xf32>
    %add3A_60 = arith.addf %dot_general3A_55, %add3A_59 : vector<16x1xf32>
    %swap3A = arith.constant 0 : index
    %swap3A_61 = arith.constant 0 : index
    %swap3A_62 = vector.load %arg8[%swap3A, %swap3A_61] : memref<16x1xf32, #tpu.memory_space<vmem>>, vector<16x1xf32>
    tpu.vector_store %arg8[%swap3A, %swap3A_61], %add3A_60 {strides = array<i32>} : memref<16x1xf32, #tpu.memory_space<vmem>>, vector<16x1xf32>,
    return
  }
}

</mosaic_0001>

<sc_bundles>
// kernel: kernel.11.cloned.1.call-start
scs
__scs_entry_jumppad:
0x0: {  	(pc) =	sbr.rel $0x88, $3  }
0x1: {  	(tag) =	ssettag $0x0;
	lr =	simm.s32 $0x1  }
0x2: {  	[smem:$0x3F98] =	sst lr;
	_ =	strace $0xD0000000  }
0x3: {  	_ = 	snop  }
0x4: {  	_ = 	snop  }
0x5: {  	_ = 	snop  }
0x6: {  	_ = 	snop  }
0x7: {  	_ = 	snop  }
__scs_overlays_trampoline_lowered:
0x8: {  	[smem:$0x3FA7] =	sst s0  }
0x9: {  	[smem:$0x3FA8] =	sst s1  }
0xa: {  	[smem:$0x3FA9] =	sst s2  }
0xb: {  	[smem:$0x3FAA] =	sst s3  }
0xc: {  	[smem:$0x3FAB] =	sst s4  }
0xd: {  	[smem:$0x3FAC] =	sst s5  }
0xe: {  	[smem:$0x3FAD] =	sst s6  }
0xf: {  	[smem:$0x3FAE] =	sst s7  }
0x10: {  	[smem:$0x3FAF] =	sst s8  }
0x11: {  	[smem:$0x3FB0] =	sst s9;
	s0 =	simm.s32 @!p0 $0x0  }
0x12: {  	s1 =	sld [smem:$0x3F96];
	s0 =	simm.s32 @p0 $0x1  }
0x13: {  	[smem:$0x3FB1] =	sst s0;
	s0 =	simm.s32 @!p1 $0x0  }
0x14: {  	s2 =	sld [smem:$0x3F95];
	s0 =	simm.s32 @p1 $0x1  }
0x15: {  	[smem:$0x3FB2] =	sst s0;
	s0 =	simm.s32 @!p2 $0x0  }
0x16: {  	s3 =	sld [smem:$0x3FDB];
	s0 =	simm.s32 @p2 $0x1  }
0x17: {  	s4 =	simm.s32 $0x1BF5;
	[smem:$0x3FB4] =	sst s0  }
0x18: {  	s0 =	sld [smem:$0x3F97];
	_ =	swait.ge [sflag:s4], $0x0  }
0x19: {  	s7 =	sld [smem:$0x3F98]  }
0x1a: {  	s8 =	sadd.s32 $0xFFFFE003, lr  }
0x1b: {  	s9 =	sadd.s32 $0xFFFFFEF7, lr;
	s5 =	simm.s32 $0xFFFFFFFF;
	p2 =	slt.u32 s8, $0xFFFFF086  }
0x1c: {  	p1 =	slt.u32 s9, $0xF7A;
	s5 =	simm.s32 @!p2 $0x0  }
0x1d: {  	s5 =	simm.s32 @p1 $0x1;
	p0 =	seq.s32 s7, s2  }
0x1e: {  	s7 =	smul.u32 @!p0 $0xF7A, s2;
	p2 =	seq.s32 @!p0 s5, $0x0  }
0x1f: {  	s9 =	smul.u32 $0xF7A, s1;
	s8 =	simm.s32 @!p0 $0x1BF5;
	p2 =	por !p2, p0  }
0x20: {  	[sflag:s8] =	ssyncset.s32 @!p0 $0xFFFFF086;
	s6 =	sadd.s32 @!p0 s3, s7;
	s7 =	simm.s32 @!p0 $0x108  }
0x21: {  	s3 =	sadd.s32 s3, s9;
	s6 =	sadd.s32 @!p0 $0x88, s6;
	s7 =	simm.s32 @p2 $0x1082  }
0x22: {  	[simem:s7], [sflag:s8] =	dma.local @!p0 [hbm:s6], $0xF7A  }
0x23: {  	s9 =	sor.u32 $0xD0000000, s2;
	s6 =	simm.s32 $0x108;
	_ =	swait.ge @!p0 [sflag:s8], $0x0  }
0x24: {  	s3 =	sadd.s32 $0x88, s3;
	s6 =	simm.s32 @!p1 $0x1082;
	[sflag:s4] =	ssyncset.s32 $0xFFFFF086  }
0x25: {  	[simem:s6], [sflag:s4] =	dma.local [hbm:s3], $0xF7A  }
0x26: {  	[smem:$0x3F98] =	sst s1;
	(tag) =	ssettag s2;
	_ =	strace s9  }
0x27: {  	s1 =	sld [smem:$0x3FA8]  }
0x28: {  	s2 =	sld [smem:$0x3FA9]  }
0x29: {  	s4 =	sld [smem:$0x3FAB]  }
0x2a: {  	p0 =	seq.s32 s5, $0x0;
	s5 =	sld [smem:$0x3FAC]  }
0x2b: {  	s6 =	sld [smem:$0x3FAD]  }
0x2c: {  	s7 =	sld [smem:$0x3FAE]  }
0x2d: {  	s3 =	simm.s32 $0x108;
	s8 =	sld [smem:$0x3FAF]  }
0x2e: {  	s3 =	simm.s32 @!p0 $0x1082;
	s9 =	sld [smem:$0x3FB0]  }
0x2f: {  	lr =	sadd.s32 s0, s3;
	s0 =	sld [smem:$0x3FA7]  }
0x30: {  	s3 =	sld [smem:$0x3FAA]  }
0x31: {  	[smem:$0x3FB3] =	sst s10  }
0x32: {  	s10 =	sld [smem:$0x3FB1];
	_ =	sdelay $0x3  }
0x33: {  	p0 =	seq.s32 s10, $0x1;
	s10 =	sld [smem:$0x3FB3];
	_ =	sdelay $0x3  }
0x34: {  	[smem:$0x3FB3] =	sst s10  }
0x35: {  	s10 =	sld [smem:$0x3FB2];
	_ =	sdelay $0x3  }
0x36: {  	p1 =	seq.s32 s10, $0x1;
	s10 =	sld [smem:$0x3FB3];
	_ =	sdelay $0x3  }
0x37: {  	[smem:$0x3FB3] =	sst s10  }
0x38: {  	s10 =	sld [smem:$0x3FB4]  }
0x39: {  	_ = 	snop;
	(pc) =	sbr.ind lr, $3  }
0x3a: {  	_ = 	snop  }
0x3b: {  	_ = 	snop  }
0x3c: {  	p2 =	seq.s32 s10, $0x1;
	s10 =	sld [smem:$0x3FB3]  }
0x3d: {  	_ =	shalt  }
0x3e: {  	_ =	shalt  }
0x3f: {  	_ =	shalt  }
0x40: {  	_ =	shalt  }
0x41: {  	_ =	shalt  }
0x42: {  	_ =	shalt  }
0x43: {  	_ =	shalt  }
0x44: {  	_ =	shalt  }
0x45: {  	_ =	shalt  }
0x46: {  	_ =	shalt  }
0x47: {  	_ =	shalt  }
0x48: {  	_ =	shalt  }
0x49: {  	_ =	shalt  }
0x4a: {  	_ =	shalt  }
0x4b: {  	_ =	shalt  }
0x4c: {  	_ =	shalt  }
0x4d: {  	_ =	shalt  }
0x4e: {  	_ =	shalt  }
0x4f: {  	_ =	shalt  }
0x50: {  	_ =	shalt  }
0x51: {  	_ =	shalt  }
0x52: {  	_ =	shalt  }
0x53: {  	_ =	shalt  }
0x54: {  	_ =	shalt  }
0x55: {  	_ =	shalt  }
0x56: {  	_ =	shalt  }
0x57: {  	_ =	shalt  }
0x58: {  	_ =	shalt  }
0x59: {  	_ =	shalt  }
0x5a: {  	_ =	shalt  }
0x5b: {  	_ =	shalt  }
0x5c: {  	_ =	shalt  }
0x5d: {  	_ =	shalt  }
0x5e: {  	_ =	shalt  }
0x5f: {  	_ =	shalt  }
0x60: {  	_ =	shalt  }
0x61: {  	_ =	shalt  }
0x62: {  	_ =	shalt  }
0x63: {  	_ =	shalt  }
0x64: {  	_ =	shalt  }
0x65: {  	_ =	shalt  }
0x66: {  	_ =	shalt  }
0x67: {  	_ =	shalt  }
0x68: {  	_ =	shalt  }
0x69: {  	_ =	shalt  }
0x6a: {  	_ =	shalt  }
0x6b: {  	_ =	shalt  }
0x6c: {  	_ =	shalt  }
0x6d: {  	_ =	shalt  }
0x6e: {  	_ =	shalt  }
0x6f: {  	_ =	shalt  }
0x70: {  	_ =	shalt  }
0x71: {  	_ =	shalt  }
0x72: {  	_ =	shalt  }
0x73: {  	_ =	shalt  }
0x74: {  	_ =	shalt  }
0x75: {  	_ =	shalt  }
0x76: {  	_ =	shalt  }
0x77: {  	_ =	shalt  }
0x78: {  	_ =	shalt  }
0x79: {  	_ =	shalt  }
0x7a: {  	_ =	shalt  }
0x7b: {  	_ =	shalt  }
0x7c: {  	_ =	shalt  }
0x7d: {  	_ =	shalt  }
0x7e: {  	_ =	shalt  }
0x7f: {  	_ =	shalt  }
0x80: {  	_ =	shalt  }
0x81: {  	_ =	shalt  }
0x82: {  	_ =	shalt  }
0x83: {  	_ =	shalt  }
0x84: {  	_ =	shalt  }
0x85: {  	_ =	shalt  }
0x86: {  	_ =	shalt  }
0x87: {  	_ =	shalt  }
.Lfunc_end0:
.L_simem_size_0:
called_computation.1_lowered:
.L_overlay_start_0:
0x88: {  	s2 =	sld [smem:$0x3FD9]  }
0x89: {  	s3 =	sld [smem:$0x3FFE];
	_ =	sdelay $0x1  }
0x8a: {  	s1 =	srdreg.scid  }
0x8b: {  	s0 =	sand.u32 $0x1, s1  }
0x8c: {  	s16 =	sshll.u32 s0, $0xA;
	s2 =	sadd.s32 s3, s2  }
0x8d: {  	s2 =	sadd.s32 s2, s16  }
0x8e: {  	[smem:$0x3FBF] =	sst s2  }
0x8f: {  	_ = 	snop  }
0x90: {  	(tm) =	ssettm $0x1  }
0x91: {  	s17 =	sld [smem:$0x3FFB];
	_ =	sdelay $0x3  }
0x92: {  	_ =	strace s17  }
0x93: {  	s2 =	sld [smem:$0x3FFC];
	_ =	sdelay $0x3  }
0x94: {  	_ =	strace s2  }
0x95: {  	s2 =	sld [smem:$0x3FFD];
	_ =	sdelay $0x3  }
0x96: {  	_ =	strace s2  }
0x97: {  	_ =	strace $0x8FFFFFFF  }
0x98: {  	s18 =	sld [smem:$0x3FDB];
	_ =	sdelay $0x1  }
0x99: {  	s19 =	simm.s32 $_scs_section_size  }
0x9a: {  	s4 =	simm.s32 $_size__tile_overlayer_lowered;
	s5 =	simm.s32 $_tile_overlayer_lowered  }
0x9b: {  	s22 =	simm.s32 $0x1BFF;
	s21 =	sshll.u32 s5, $0x1;
	s2 =	sadd.s32 s19, s18  }
0x9c: {  	s6 =	simm.s32 $0x0;
	s20 =	sshll.u32 s4, $0x1;
	s4 =	sadd.s32 s21, s2  }
0x9d: {  	[timem:s6], [sflag:s22] =	dma.local [hbm:s4], s20  }
0x9e: {  	_ =	swait.ge [sflag:s22], s20  }
0x9f: {  	s3 =	ssub.s32 $0x0, s20;
	[sflag:s22] =	ssyncset.done $0x0  }
0xa0: {  	[sflag:s22] =	ssyncadd.s32 s3;
	_ =	sdelay $0x1  }
0xa1: {  	s23 =	simm.s32 $0x1B8B  }
0xa2: {  	_ =	swait.ge [sflag:s23], $0x1  }
0xa3: {  	[sflag:s23] =	ssyncset.done $0x0  }
0xa4: {  	s25 =	simm.s32 $0x1B8E;
	s24 =	sld [smem:$0x3FFE];
	[sflag:s23] =	ssyncadd.s32 $0xFFFFFFFF  }
0xa5: {  	s26 =	simm.s32 $execute0_lowered;
	[smem:$0x3FD2] =	sst s25  }
0xa6: {  	s4 =	sshll.u32 s26, $0x1;
	_ =	strace $0x80000049;
	[dreg:$0x1] =	wrdreg $0xFFFFFFFF  }
0xa7: {  	s28 =	simm.s32 $_size_execute0_lowered;
	s2 =	sadd.s32 s2, s4;
	[dreg:$0x0] =	wrdreg $0x0  }
0xa8: {  	s4 =	sshll.u32 s28, $0x1;
	[dreg:$0x2] =	wrdreg s2  }
0xa9: {  	[dreg:$0x3] =	wrdreg s4  }
0xaa: {  	[dreg:$0x4] =	wrdreg $0xC0  }
0xab: {  	_ =	task [dreg:s6], $0x5FFFF  }
0xac: {  	[dreg:$0x1] =	wrdreg $0xFFFFFFFF  }
0xad: {  	[dreg:$0x0] =	wrdreg $0x60  }
0xae: {  	[dreg:$0x2] =	wrdreg s24  }
0xaf: {  	[dreg:$0x3] =	wrdreg $0x8B000  }
0xb0: {  	[dreg:$0x4] =	wrdreg $0x9  }
0xb1: {  	_ =	task.clear_ibuf [dreg:s6], $0x5FFFF;
	_ =	strace $0x90000049  }
0xb2: {  	s29 =	simm.s32 $0x9;
	_ =	strace $0x8000004B  }
0xb3: {  	_ =	swait.ge [sflag:s29], $0x1  }
0xb4: {  	[sflag:s29] =	ssyncadd.s32 $0xFFFFFFFF  }
0xb5: {  	_ =	strace $0x9000004B  }
0xb6: {  	_ =	sfence  }
0xb7: {  	s30 =	sld [smem:$0x0];
	_ =	sdelay $0x2  }
0xb8: {  	s31 =	sshll.u32 s1, $0xD;
	s1 =	sshrl.u32 s1, $0x2  }
0xb9: {  	s3 =	sand.u32 $0x4000, s31;
	s1 =	sadd.s32 s1, s30  }
0xba: {  	s0 =	sor.u32 s3, s0;
	s1 =	sshll.u32 s1, $0x11  }
0xbb: {  	s0 =	sor.u32 s1, s0  }
0xbc: {  	s0 =	sadd.s32 $0x8F2B, s0  }
0xbd: {  	[sflag:s0] =	ssyncadd.remote.s32 $0x1  }
0xbe: {  	_ =	sfence.sel $0xFFFF  }
0xbf: {  	[dreg:$0x0] =	wrdreg $0xFFFFFFFF;
	(pc) =	sbr.abs _section_cstart, $3  }
0xc0: {  	[dreg:$0x1] =	wrdreg $0xFFFFFFFF  }
0xc1: {  	_ =	task.clear_ibuf [dreg:s6], $0x2FFFF;
	_ =	strace $0x9FFFFFFF  }
0xc2: {  	(tm) =	ssettm $0x7FFFFFFF  }
0xc3: {  	_ =	shalt  }
tec
execute0_lowered:
.L_overlay_start_1:
0x0: {  	(tag) =	ssettag $0x1  }
0x1: {  	s0 =	rddreg [dreg:$0x0]  }
0x2: {  	s1 =	rddreg [dreg:$0x1];
	s2 =	simm.s32 $0x0;
	s3 =	srdreg.scid  }
0x3: {  	s9 =	stileid.u32;
	s28 =	simm.s32 $0x3;
	s29 =	simm.s32 $0x5  }
0x4: {  	s30 =	simm.s32 $0x4;
	s31 =	simm.s32 $0x2;
	[smem:$0x7FF] =	sst s2  }
0x5: {  	s6 =	sand.u32 $0x1, s3;
	s3 =	sadd.s32 $0x15E00, s0;
	s4 =	sadd.s32 $0x2200, s0  }
0x6: {  	s10 =	sadd.s32 $0x3D000, s0;
	s11 =	smul.u32 $0x2710, s9;
	p0 =	sne.s32 s9, $0x0  }
0x7: {  	_ =	strace $0x8000004A;
	s5 =	sshll.u32 s6, $0x4;
	s7 =	smul.u32 $0x27100, s6  }
0x8: {  	s6 =	ssub.s32 $0x2, s6;
	[dreg:$0x3] =	wrdreg s10;
	s18 =	sshrl.u32 @!p0 s1, $0x3  }
0x9: {  	s8 =	sor.u32 s9, s5;
	s5 =	sadd.s32 $0xC000, s0;
	s19 =	sshrl.u32 s6, $0x1  }
0xa: {  	s9 =	simm.s32 $0x8300;
	s8 =	smul.u32 $0x2710, s8;
	s0 =	sadd.s32 s7, s0  }
0xb: {  	s6 =	ssub.s32 s6, s19;
	s7 =	sadd.s32 s11, s7;
	s19 =	simm.s32 $0x7  }
0xc: {  	s11 =	simm.s32 $0x0;
	s0 =	sadd.s32 $0x64200, s0;
	s23 =	sadd.s32 $0x180, s7  }
0xd: {  	s6 =	smax.u32 s6, $0x1;
	s24 =	sadd.s32 $0x80, s7;
	[dreg:$0x9] =	wrdreg s0  }
0xe: {  	s7 =	sadd.s32 $0x100, s7;
	s20 =	sshrl.u32 s8, $0x3;
	[dreg:$0xa] =	wrdreg s6  }
0xf: {  	s0 =	sshrl.u32 s23, $0x3;
	s26 =	sshrl.u32 s24, $0x3;
	s23 =	simm.s32 $0x6  }
0x10: {  	s24 =	simm.s32 $0x4300;
	s6 =	simm.s32 $0x10;
	s8 =	sadd.s32 s4, s20  }
0x11: {  	s12 =	sadd.s32 s5, s20;
	s10 =	sadd.s32 $0x4E0, s20;
	[dreg:$0x4] =	wrdreg s8  }
0x12: {  	s15 =	sadd.s32 s0, s4;
	s8 =	sadd.s32 $0x10, s8;
	[dreg:$0x5] =	wrdreg s12  }
0x13: {  	s17 =	sadd.s32 s26, s5;
	s21 =	sadd.s32 s4, s10;
	[dreg:$0x6] =	wrdreg s8  }
0x14: {  	s20 =	simm.s32 $0x80;
	s22 =	sadd.s32 s5, s10;
	[dreg:$0x7] =	wrdreg s21  }
0x15: {  	s26 =	simm.s32 $0x1;
	s25 =	sadd.s32 $0x4D0, s12;
	[dreg:$0x8] =	wrdreg s22  }
0x16: {  	s0 =	simm.s32 $0x200;
	s10 =	simm.s32 $0x280;
	[dreg:$0xb] =	wrdreg s25  }
0x17: {  	s21 =	simm.s32 $0x300;
	s22 =	simm.s32 $0x100;
	s25 =	simm.s32 $0x180  }
.LBB2_1:
0x18: {  	s12 =	simm.s32 @!p0 $0x1C07;
	s8 =	rddreg [dreg:$0x3]  }
0x19: {  	[spmem:s18], [sflag:s12] =	dma.local @!p0 [hbm:s8], $0x27100  }
0x1a: {  	s12 =	simm.s32 @!p0 $0x7  }
0x1b: {  	_ =	swait.ge @!p0 [sflag:s12], $0x27100  }
0x1c: {  	[sflag:s12] =	ssyncset.done @!p0 $0x0  }
0x1d: {  	[sflag:s12] =	ssyncadd.s32 @!p0 $0xFFFD8F00  }
0x1e: {  	[bflag:$0x0] =	sbarrier.arrive $0xFFFF  }
0x1f: {  	s14 =	rddreg [dreg:$0x4]  }
0x20: {  	[tilespmem:s2], [sflag:$0x7] =	stream.linear.gather [hbm4b:s14+s2], $0x80, $0x38;
	[tilespmem:$0x1C380] =	vst v63  }
0x21: {  	_ =	swait.ge [sflag:s19], $0x80  }
0x22: {  	[sflag:s19] =	ssyncset.done $0x0  }
0x23: {  	[sflag:s19] =	ssyncadd.s32 $0xFFFFFF80  }
0x24: {  	[tilespmem:s21], [sflag:$0x1] =	stream.indirect.gather [hbm4b:s3+s20], $0x80, s2, s20, $0xb8;
	[tilespmem:$0x1C380] =	vst v63  }
0x25: {  	s16 =	rddreg [dreg:$0x5]  }
0x26: {  	[tilespmem:s22], [sflag:$0x3] =	stream.linear.gather [hbm4b:s16+s2], $0x80, $0x38;
	[tilespmem:$0x1C380] =	vst v63  }
0x27: {  	s12 =	rddreg [dreg:$0x6]  }
0x28: {  	[tilespmem:s20], [sflag:$0x6] =	stream.linear.gather [hbm4b:s12+s2], $0x80, $0x38;
	[tilespmem:$0x1C380] =	vst v63  }
0x29: {  	_ =	swait.ge [sflag:s23], $0x80  }
0x2a: {  	[sflag:s23] =	ssyncset.done $0x0  }
0x2b: {  	[sflag:s23] =	ssyncadd.s32 $0xFFFFFF80  }
0x2c: {  	[tilespmem:s24], [sflag:$0x2] =	stream.indirect.gather [hbm4b:s3+s20], $0x80, s20, s20, $0xb8;
	[tilespmem:$0x1C380] =	vst v63  }
0x2d: {  	s13 =	sadd.s32 $0x0, s17  }
0x2e: {  	[tilespmem:s25], [sflag:$0x4] =	stream.linear.gather [hbm4b:s13+s2], $0x80, $0x38;
	[tilespmem:$0x1C380] =	vst v63  }
0x2f: {  	_ =	swait.ge [sflag:s26], $0x4000  }
0x30: {  	s14 =	sshrl.u32 s7, $0x3;
	[sflag:s26] =	ssyncset.done $0x0  }
0x31: {  	s16 =	sadd.s32 s4, s14;
	[sflag:s26] =	ssyncadd.s32 $0xFFFFC000  }
0x32: {  	[tilespmem:s2], [sflag:$0x5] =	stream.linear.gather [hbm4b:s16+s2], $0x80, $0x38;
	[tilespmem:$0x1C380] =	vst v63  }
0x33: {  	_ =	swait.ge [sflag:s28], $0x80  }
0x34: {  	[sflag:s28] =	ssyncset.done $0x0  }
0x35: {  	[sflag:s28] =	ssyncadd.s32 $0xFFFFFF80  }
0x36: {  	[spmem:s1] =	stream.indirect.scatter.add.f32 [tilespmem:s21], [sflag:$0x7], $0x80, s22, s20, $0xb8;
	[tilespmem:$0x1C380] =	vst v63  }
0x37: {  	_ =	swait.ge [sflag:s19], $0x4000  }
0x38: {  	[sflag:s19] =	ssyncset.done $0x0  }
0x39: {  	[sflag:s19] =	ssyncadd.s32 $0xFFFFC000  }
0x3a: {  	_ =	swait.ge [sflag:s29], $0x80  }
0x3b: {  	[sflag:s29] =	ssyncset.done $0x0  }
0x3c: {  	[sflag:s29] =	ssyncadd.s32 $0xFFFFFF80  }
0x3d: {  	[tilespmem:s21], [sflag:$0x1] =	stream.indirect.gather [hbm4b:s3+s20], $0x80, s2, s20, $0xb8;
	[tilespmem:$0x1C380] =	vst v63  }
0x3e: {  	s12 =	sadd.s32 s5, s14  }
0x3f: {  	[tilespmem:s22], [sflag:$0x3] =	stream.linear.gather [hbm4b:s12+s2], $0x80, $0x38;
	[tilespmem:$0x1C380] =	vst v63  }
0x40: {  	_ =	swait.ge [sflag:s30], $0x80  }
0x41: {  	[sflag:s30] =	ssyncset.done $0x0  }
0x42: {  	[sflag:s30] =	ssyncadd.s32 $0xFFFFFF80  }
0x43: {  	_ =	swait.ge [sflag:s31], $0x4000  }
0x44: {  	[sflag:s31] =	ssyncset.done $0x0  }
0x45: {  	s16 =	sadd.s32 $0x0, s15;
	[sflag:s31] =	ssyncadd.s32 $0xFFFFC000  }
0x46: {  	[tilespmem:s20], [sflag:$0x6] =	stream.linear.gather [hbm4b:s16+s2], $0x80, $0x38;
	[tilespmem:$0x1C380] =	vst v63  }
0x47: {  	_ = 	snop  }
0x48: {  	[spmem:s1] =	stream.indirect.scatter.add.f32 [tilespmem:s24], [sflag:$0x7], $0x80, s25, s20, $0xb8;
	[tilespmem:$0x1C380] =	vst v63  }
0x49: {  	_ =	swait.ge [sflag:s19], $0x4000  }
0x4a: {  	s12 =	simm.s32 $0x20;
	s16 =	smov.u32 s7;
	[sflag:s19] =	ssyncset.done $0x0  }
.LBB2_2:
0x4b: {  	p1 =	sne.s32 s12, $0x4A0;
	[sflag:s19] =	ssyncadd.s32 $0xFFFFC000;
	s16 =	sadd.s32 $0x100, s16  }
0x4c: {  	s8 =	smov.u32 s12;
	s12 =	sadd.s32 $0x20, s12  }
0x4d: {  	_ =	swait.ge [sflag:s23], $0x80  }
0x4e: {  	[sflag:s23] =	ssyncset.done $0x0  }
0x4f: {  	[sflag:s23] =	ssyncadd.s32 $0xFFFFFF80  }
0x50: {  	[tilespmem:s24], [sflag:$0x2] =	stream.indirect.gather [hbm4b:s3+s20], $0x80, s20, s20, $0xb8;
	[tilespmem:$0x1C380] =	vst v63  }
0x51: {  	s13 =	sadd.s32 s8, s17  }
0x52: {  	[tilespmem:s25], [sflag:$0x4] =	stream.linear.gather [hbm4b:s13+s2], $0x80, $0x38;
	[tilespmem:$0x1C380] =	vst v63  }
0x53: {  	_ =	swait.ge [sflag:s26], $0x4000  }
0x54: {  	s13 =	sshrl.u32 s16, $0x3;
	[sflag:s26] =	ssyncset.done $0x0  }
0x55: {  	s14 =	sadd.s32 s4, s13;
	[sflag:s26] =	ssyncadd.s32 $0xFFFFC000  }
0x56: {  	[tilespmem:s2], [sflag:$0x5] =	stream.linear.gather [hbm4b:s14+s2], $0x80, $0x38;
	[tilespmem:$0x1C380] =	vst v63  }
0x57: {  	_ =	swait.ge [sflag:s28], $0x80  }
0x58: {  	[sflag:s28] =	ssyncset.done $0x0  }
0x59: {  	[sflag:s28] =	ssyncadd.s32 $0xFFFFFF80  }
0x5a: {  	[spmem:s1] =	stream.indirect.scatter.add.f32 [tilespmem:s21], [sflag:$0x7], $0x80, s22, s20, $0xb8;
	[tilespmem:$0x1C380] =	vst v63  }
0x5b: {  	_ =	swait.ge [sflag:s19], $0x4000  }
0x5c: {  	[sflag:s19] =	ssyncset.done $0x0  }
0x5d: {  	[sflag:s19] =	ssyncadd.s32 $0xFFFFC000  }
0x5e: {  	_ =	swait.ge [sflag:s29], $0x80  }
0x5f: {  	[sflag:s29] =	ssyncset.done $0x0  }
0x60: {  	[sflag:s29] =	ssyncadd.s32 $0xFFFFFF80  }
0x61: {  	[tilespmem:s21], [sflag:$0x1] =	stream.indirect.gather [hbm4b:s3+s20], $0x80, s2, s20, $0xb8;
	[tilespmem:$0x1C380] =	vst v63  }
0x62: {  	s13 =	sadd.s32 s5, s13  }
0x63: {  	[tilespmem:s22], [sflag:$0x3] =	stream.linear.gather [hbm4b:s13+s2], $0x80, $0x38;
	[tilespmem:$0x1C380] =	vst v63  }
0x64: {  	_ =	swait.ge [sflag:s30], $0x80  }
0x65: {  	[sflag:s30] =	ssyncset.done $0x0  }
0x66: {  	[sflag:s30] =	ssyncadd.s32 $0xFFFFFF80  }
0x67: {  	_ =	swait.ge [sflag:s31], $0x4000  }
0x68: {  	[sflag:s31] =	ssyncset.done $0x0  }
0x69: {  	s8 =	sadd.s32 s8, s15;
	[sflag:s31] =	ssyncadd.s32 $0xFFFFC000  }
0x6a: {  	[tilespmem:s20], [sflag:$0x6] =	stream.linear.gather [hbm4b:s8+s2], $0x80, $0x38;
	[tilespmem:$0x1C380] =	vst v63  }
.Ltmp0:
0x6b: {  	_ = 	snop;
	(pc) =	sbr.rel @p1 .LBB2_2-.Ltmp0, $4  }
0x6c: {  	_ = 	snop  }
0x6d: {  	[spmem:s1] =	stream.indirect.scatter.add.f32 [tilespmem:s24], [sflag:$0x7], $0x80, s25, s20, $0xb8;
	[tilespmem:$0x1C380] =	vst v63  }
0x6e: {  	_ =	swait.ge [sflag:s19], $0x4000  }
0x6f: {  	[sflag:s19] =	ssyncset.done $0x0  }
0x70: {  	[sflag:s19] =	ssyncadd.s32 $0xFFFFC000  }
0x71: {  	_ =	swait.ge [sflag:s23], $0x80  }
0x72: {  	[sflag:s23] =	ssyncset.done $0x0  }
0x73: {  	[sflag:s23] =	ssyncadd.s32 $0xFFFFFF80  }
0x74: {  	[tilespmem:s24], [sflag:$0x2] =	stream.indirect.gather [hbm4b:s3+s20], $0x80, s20, s20, $0xb8;
	[tilespmem:$0x1C380] =	vst v63  }
0x75: {  	s8 =	rddreg [dreg:$0xb]  }
0x76: {  	[tilespmem:s25], [sflag:$0x4] =	stream.linear.gather [hbm4b:s8+s2], $0x80, $0x38;
	[tilespmem:$0x1C380] =	vst v63  }
0x77: {  	_ =	swait.ge [sflag:s26], $0x4000  }
0x78: {  	[sflag:s26] =	ssyncset.done $0x0  }
0x79: {  	[sflag:s26] =	ssyncadd.s32 $0xFFFFC000  }
0x7a: {  	_ =	swait.ge [sflag:s28], $0x80  }
0x7b: {  	[sflag:s28] =	ssyncset.done $0x0  }
0x7c: {  	[sflag:s28] =	ssyncadd.s32 $0xFFFFFF80  }
0x7d: {  	[spmem:s1] =	stream.indirect.scatter.add.f32 [tilespmem:s21], [sflag:$0x7], $0x80, s22, s20, $0xb8;
	[tilespmem:$0x1C380] =	vst v63  }
0x7e: {  	_ =	swait.ge [sflag:s19], $0x4000  }
0x7f: {  	[sflag:s19] =	ssyncset.done $0x0  }
0x80: {  	[sflag:s19] =	ssyncadd.s32 $0xFFFFC000  }
0x81: {  	_ =	swait.ge [sflag:s30], $0x80  }
0x82: {  	[sflag:s30] =	ssyncset.done $0x0  }
0x83: {  	[sflag:s30] =	ssyncadd.s32 $0xFFFFFF80  }
0x84: {  	_ =	swait.ge [sflag:s31], $0x4000  }
0x85: {  	[sflag:s31] =	ssyncset.done $0x0  }
0x86: {  	[sflag:s31] =	ssyncadd.s32 $0xFFFFC000  }
0x87: {  	[spmem:s1] =	stream.indirect.scatter.add.f32 [tilespmem:s24], [sflag:$0x7], $0x80, s25, s20, $0xb8;
	[tilespmem:$0x1C380] =	vst v63  }
0x88: {  	_ =	swait.ge [sflag:s19], $0x4000  }
0x89: {  	[sflag:s19] =	ssyncset.done $0x0  }
0x8a: {  	s13 =	rddreg [dreg:$0x7];
	[sflag:s19] =	ssyncadd.s32 $0xFFFFC000  }
0x8b: {  	[tilespmem:s0], [sflag:$0x7] =	stream.linear.gather [hbm4b:s13+s2], $0x10, $0x38;
	[tilespmem:$0x1C380] =	vst v63  }
0x8c: {  	_ =	swait.ge [sflag:s19], $0x10  }
0x8d: {  	[sflag:s19] =	ssyncset.done $0x0  }
0x8e: {  	[sflag:s19] =	ssyncadd.s32 $0xFFFFFFF0  }
0x8f: {  	[tilespmem:s9], [sflag:$0x1] =	stream.indirect.gather [hbm4b:s3+s6], $0x80, s0, s6, $0xb8;
	[tilespmem:$0x1C380] =	vst v63  }
0x90: {  	_ =	swait.ge [sflag:s26], $0x800  }
0x91: {  	[sflag:s26] =	ssyncset.done $0x0  }
0x92: {  	s14 =	rddreg [dreg:$0x8];
	[sflag:s26] =	ssyncadd.s32 $0xFFFFF800  }
0x93: {  	[tilespmem:s10], [sflag:$0x7] =	stream.linear.gather [hbm4b:s14+s2], $0x10, $0x38;
	[tilespmem:$0x1C380] =	vst v63  }
0x94: {  	_ =	swait.ge [sflag:s19], $0x10  }
0x95: {  	[sflag:s19] =	ssyncset.done $0x0  }
0x96: {  	[sflag:s19] =	ssyncadd.s32 $0xFFFFFFF0  }
0x97: {  	[spmem:s1] =	stream.indirect.scatter.add.f32 [tilespmem:s9], [sflag:$0x7], $0x80, s10, s6, $0xb8;
	[tilespmem:$0x1C380] =	vst v63  }
0x98: {  	_ =	swait.ge [sflag:s19], $0x800  }
0x99: {  	[sflag:s19] =	ssyncset.done $0x0  }
0x9a: {  	[sflag:s19] =	ssyncadd.s32 $0xFFFFF800  }
0x9b: {  	[bflag:$0x0] =	sbarrier.arrive $0xFFFF  }
0x9c: {  	s8 =	simm.s32 @!p0 $0x1C07;
	s12 =	rddreg [dreg:$0x9]  }
0x9d: {  	[hbm:s12], [sflag:s8] =	dma.local @!p0 [spmem:s18], $0x27100  }
0x9e: {  	s8 =	simm.s32 @!p0 $0x7  }
0x9f: {  	_ =	swait.ge @!p0 [sflag:s8], $0x27100  }
0xa0: {  	s11 =	sadd.s32 $0x1, s11;
	s16 =	rddreg [dreg:$0xa]  }
0xa1: {  	p1 =	sne.s32 s11, s16  }
.Ltmp1:
0xa2: {  	_ = 	snop;
	(pc) =	sbr.rel @p1 .LBB2_1-.Ltmp1, $3  }
0xa3: {  	_ =	sdelay $0x1  }
0xa4: {  	[sflag:s8] =	ssyncset.done @!p0 $0x0  }
0xa5: {  	[sflag:s8] =	ssyncadd.s32 @!p0 $0xFFFD8F00  }
0xa6: {  	_ =	sfence.sel $0x180000  }
0xa7: {  	[bflag:$0x0] =	sbarrier.arrive $0xFFFF  }
0xa8: {  	_ =	strace $0x9000004A  }
0xa9: {  	[bflag:$0x2] =	sbarrier.arrive $0xFFFF  }
0xaa: {  	s0 =	rddreg [dreg:$0x2]  }
0xab: {  	s0 =	sadd.s32 @!p0 $0x100000, s0  }
0xac: {  	[sflag:s0] =	ssyncadd.tile.s32 @!p0 $0x1;
	_ =	shalt  }
.Lfunc_end2:
_tile_overlayer_lowered:
.L_overlay_start_2:
0xad: {  	(tag) =	ssettag $0x2  }
0xae: {  	s0 =	rddreg [dreg:$0x0];
	s2 =	stileid.u32  }
0xaf: {  	s1 =	rddreg [dreg:$0x1];
	p0 =	sne.s32 s2, $0x0  }
0xb0: {  	s3 =	rddreg [dreg:$0x2];
	[bflag:$0x3] =	sbarrier.arrive $0xFFFF;
	s2 =	simm.s32 @!p0 $0x1C07  }
0xb1: {  	[timem:s3], [sflag:s2] =	dma.local @!p0 [hbm:s0], s1  }
0xb2: {  	s0 =	simm.s32 @!p0 $0x7  }
0xb3: {  	_ =	swait.ge @!p0 [sflag:s0], s1  }
0xb4: {  	s1 =	ssub.s32 @!p0 $0x0, s1;
	[sflag:s0] =	ssyncset.done @!p0 $0x0  }
0xb5: {  	[sflag:s0] =	ssyncadd.s32 @!p0 s1  }
0xb6: {  	[bflag:$0x3] =	sbarrier.arrive $0xFFFF  }
0xb7: {  	_ =	shalt  }

// kernel: kernel.14.cloned.1.call-start
scs
__scs_entry_jumppad:
0x0: {  	(pc) =	sbr.rel $0x88, $3  }
0x1: {  	(tag) =	ssettag $0x0;
	lr =	simm.s32 $0x1  }
0x2: {  	[smem:$0x3F98] =	sst lr;
	_ =	strace $0xD0000000  }
0x3: {  	_ = 	snop  }
0x4: {  	_ = 	snop  }
0x5: {  	_ = 	snop  }
0x6: {  	_ = 	snop  }
0x7: {  	_ = 	snop  }
__scs_overlays_trampoline_lowered:
0x8: {  	[smem:$0x3FA7] =	sst s0  }
0x9: {  	[smem:$0x3FA8] =	sst s1  }
0xa: {  	[smem:$0x3FA9] =	sst s2  }
0xb: {  	[smem:$0x3FAA] =	sst s3  }
0xc: {  	[smem:$0x3FAB] =	sst s4  }
0xd: {  	[smem:$0x3FAC] =	sst s5  }
0xe: {  	[smem:$0x3FAD] =	sst s6  }
0xf: {  	[smem:$0x3FAE] =	sst s7  }
0x10: {  	[smem:$0x3FAF] =	sst s8  }
0x11: {  	[smem:$0x3FB0] =	sst s9;
	s0 =	simm.s32 @!p0 $0x0  }
0x12: {  	s1 =	sld [smem:$0x3F96];
	s0 =	simm.s32 @p0 $0x1  }
0x13: {  	[smem:$0x3FB1] =	sst s0;
	s0 =	simm.s32 @!p1 $0x0  }
0x14: {  	s2 =	sld [smem:$0x3F95];
	s0 =	simm.s32 @p1 $0x1  }
0x15: {  	[smem:$0x3FB2] =	sst s0;
	s0 =	simm.s32 @!p2 $0x0  }
0x16: {  	s3 =	sld [smem:$0x3FDB];
	s0 =	simm.s32 @p2 $0x1  }
0x17: {  	s4 =	simm.s32 $0x1BF5;
	[smem:$0x3FB4] =	sst s0  }
0x18: {  	s0 =	sld [smem:$0x3F97];
	_ =	swait.ge [sflag:s4], $0x0  }
0x19: {  	s7 =	sld [smem:$0x3F98]  }
0x1a: {  	s8 =	sadd.s32 $0xFFFFE003, lr  }
0x1b: {  	s9 =	sadd.s32 $0xFFFFFEF7, lr;
	s5 =	simm.s32 $0xFFFFFFFF;
	p2 =	slt.u32 s8, $0xFFFFF086  }
0x1c: {  	p1 =	slt.u32 s9, $0xF7A;
	s5 =	simm.s32 @!p2 $0x0  }
0x1d: {  	s5 =	simm.s32 @p1 $0x1;
	p0 =	seq.s32 s7, s2  }
0x1e: {  	s7 =	smul.u32 @!p0 $0xF7A, s2;
	p2 =	seq.s32 @!p0 s5, $0x0  }
0x1f: {  	s9 =	smul.u32 $0xF7A, s1;
	s8 =	simm.s32 @!p0 $0x1BF5;
	p2 =	por !p2, p0  }
0x20: {  	[sflag:s8] =	ssyncset.s32 @!p0 $0xFFFFF086;
	s6 =	sadd.s32 @!p0 s3, s7;
	s7 =	simm.s32 @!p0 $0x108  }
0x21: {  	s3 =	sadd.s32 s3, s9;
	s6 =	sadd.s32 @!p0 $0x88, s6;
	s7 =	simm.s32 @p2 $0x1082  }
0x22: {  	[simem:s7], [sflag:s8] =	dma.local @!p0 [hbm:s6], $0xF7A  }
0x23: {  	s9 =	sor.u32 $0xD0000000, s2;
	s6 =	simm.s32 $0x108;
	_ =	swait.ge @!p0 [sflag:s8], $0x0  }
0x24: {  	s3 =	sadd.s32 $0x88, s3;
	s6 =	simm.s32 @!p1 $0x1082;
	[sflag:s4] =	ssyncset.s32 $0xFFFFF086  }
0x25: {  	[simem:s6], [sflag:s4] =	dma.local [hbm:s3], $0xF7A  }
0x26: {  	[smem:$0x3F98] =	sst s1;
	(tag) =	ssettag s2;
	_ =	strace s9  }
0x27: {  	s1 =	sld [smem:$0x3FA8]  }
0x28: {  	s2 =	sld [smem:$0x3FA9]  }
0x29: {  	s4 =	sld [smem:$0x3FAB]  }
0x2a: {  	p0 =	seq.s32 s5, $0x0;
	s5 =	sld [smem:$0x3FAC]  }
0x2b: {  	s6 =	sld [smem:$0x3FAD]  }
0x2c: {  	s7 =	sld [smem:$0x3FAE]  }
0x2d: {  	s3 =	simm.s32 $0x108;
	s8 =	sld [smem:$0x3FAF]  }
0x2e: {  	s3 =	simm.s32 @!p0 $0x1082;
	s9 =	sld [smem:$0x3FB0]  }
0x2f: {  	lr =	sadd.s32 s0, s3;
	s0 =	sld [smem:$0x3FA7]  }
0x30: {  	s3 =	sld [smem:$0x3FAA]  }
0x31: {  	[smem:$0x3FB3] =	sst s10  }
0x32: {  	s10 =	sld [smem:$0x3FB1];
	_ =	sdelay $0x3  }
0x33: {  	p0 =	seq.s32 s10, $0x1;
	s10 =	sld [smem:$0x3FB3];
	_ =	sdelay $0x3  }
0x34: {  	[smem:$0x3FB3] =	sst s10  }
0x35: {  	s10 =	sld [smem:$0x3FB2];
	_ =	sdelay $0x3  }
0x36: {  	p1 =	seq.s32 s10, $0x1;
	s10 =	sld [smem:$0x3FB3];
	_ =	sdelay $0x3  }
0x37: {  	[smem:$0x3FB3] =	sst s10  }
0x38: {  	s10 =	sld [smem:$0x3FB4]  }
0x39: {  	_ = 	snop;
	(pc) =	sbr.ind lr, $3  }
0x3a: {  	_ = 	snop  }
0x3b: {  	_ = 	snop  }
0x3c: {  	p2 =	seq.s32 s10, $0x1;
	s10 =	sld [smem:$0x3FB3]  }
0x3d: {  	_ =	shalt  }
0x3e: {  	_ =	shalt  }
0x3f: {  	_ =	shalt  }
0x40: {  	_ =	shalt  }
0x41: {  	_ =	shalt  }
0x42: {  	_ =	shalt  }
0x43: {  	_ =	shalt  }
0x44: {  	_ =	shalt  }
0x45: {  	_ =	shalt  }
0x46: {  	_ =	shalt  }
0x47: {  	_ =	shalt  }
0x48: {  	_ =	shalt  }
0x49: {  	_ =	shalt  }
0x4a: {  	_ =	shalt  }
0x4b: {  	_ =	shalt  }
0x4c: {  	_ =	shalt  }
0x4d: {  	_ =	shalt  }
0x4e: {  	_ =	shalt  }
0x4f: {  	_ =	shalt  }
0x50: {  	_ =	shalt  }
0x51: {  	_ =	shalt  }
0x52: {  	_ =	shalt  }
0x53: {  	_ =	shalt  }
0x54: {  	_ =	shalt  }
0x55: {  	_ =	shalt  }
0x56: {  	_ =	shalt  }
0x57: {  	_ =	shalt  }
0x58: {  	_ =	shalt  }
0x59: {  	_ =	shalt  }
0x5a: {  	_ =	shalt  }
0x5b: {  	_ =	shalt  }
0x5c: {  	_ =	shalt  }
0x5d: {  	_ =	shalt  }
0x5e: {  	_ =	shalt  }
0x5f: {  	_ =	shalt  }
0x60: {  	_ =	shalt  }
0x61: {  	_ =	shalt  }
0x62: {  	_ =	shalt  }
0x63: {  	_ =	shalt  }
0x64: {  	_ =	shalt  }
0x65: {  	_ =	shalt  }
0x66: {  	_ =	shalt  }
0x67: {  	_ =	shalt  }
0x68: {  	_ =	shalt  }
0x69: {  	_ =	shalt  }
0x6a: {  	_ =	shalt  }
0x6b: {  	_ =	shalt  }
0x6c: {  	_ =	shalt  }
0x6d: {  	_ =	shalt  }
0x6e: {  	_ =	shalt  }
0x6f: {  	_ =	shalt  }
0x70: {  	_ =	shalt  }
0x71: {  	_ =	shalt  }
0x72: {  	_ =	shalt  }
0x73: {  	_ =	shalt  }
0x74: {  	_ =	shalt  }
0x75: {  	_ =	shalt  }
0x76: {  	_ =	shalt  }
0x77: {  	_ =	shalt  }
0x78: {  	_ =	shalt  }
0x79: {  	_ =	shalt  }
0x7a: {  	_ =	shalt  }
0x7b: {  	_ =	shalt  }
0x7c: {  	_ =	shalt  }
0x7d: {  	_ =	shalt  }
0x7e: {  	_ =	shalt  }
0x7f: {  	_ =	shalt  }
0x80: {  	_ =	shalt  }
0x81: {  	_ =	shalt  }
0x82: {  	_ =	shalt  }
0x83: {  	_ =	shalt  }
0x84: {  	_ =	shalt  }
0x85: {  	_ =	shalt  }
0x86: {  	_ =	shalt  }
0x87: {  	_ =	shalt  }
.Lfunc_end0:
.L_simem_size_0:
called_computation.2_lowered:
.L_overlay_start_0:
0x88: {  	s2 =	sld [smem:$0x3FD9]  }
0x89: {  	s3 =	sld [smem:$0x3FFE];
	_ =	sdelay $0x1  }
0x8a: {  	s1 =	srdreg.scid  }
0x8b: {  	s0 =	sand.u32 $0x1, s1  }
0x8c: {  	s16 =	sshll.u32 s0, $0xA;
	s2 =	sadd.s32 s3, s2  }
0x8d: {  	s2 =	sadd.s32 s2, s16  }
0x8e: {  	[smem:$0x3FBF] =	sst s2  }
0x8f: {  	_ = 	snop  }
0x90: {  	(tm) =	ssettm $0x1  }
0x91: {  	s17 =	sld [smem:$0x3FFB];
	_ =	sdelay $0x3  }
0x92: {  	_ =	strace s17  }
0x93: {  	s2 =	sld [smem:$0x3FFC];
	_ =	sdelay $0x3  }
0x94: {  	_ =	strace s2  }
0x95: {  	s2 =	sld [smem:$0x3FFD];
	_ =	sdelay $0x3  }
0x96: {  	_ =	strace s2  }
0x97: {  	_ =	strace $0x8FFFFFFF  }
0x98: {  	s18 =	sld [smem:$0x3FDB];
	_ =	sdelay $0x1  }
0x99: {  	s19 =	simm.s32 $_scs_section_size  }
0x9a: {  	s4 =	simm.s32 $_size__tile_overlayer_lowered;
	s5 =	simm.s32 $_tile_overlayer_lowered  }
0x9b: {  	s22 =	simm.s32 $0x1BFF;
	s21 =	sshll.u32 s5, $0x1;
	s2 =	sadd.s32 s19, s18  }
0x9c: {  	s6 =	simm.s32 $0x0;
	s20 =	sshll.u32 s4, $0x1;
	s4 =	sadd.s32 s21, s2  }
0x9d: {  	[timem:s6], [sflag:s22] =	dma.local [hbm:s4], s20  }
0x9e: {  	_ =	swait.ge [sflag:s22], s20  }
0x9f: {  	s3 =	ssub.s32 $0x0, s20;
	[sflag:s22] =	ssyncset.done $0x0  }
0xa0: {  	[sflag:s22] =	ssyncadd.s32 s3;
	_ =	sdelay $0x1  }
0xa1: {  	s23 =	simm.s32 $0x1B8B  }
0xa2: {  	_ =	swait.ge [sflag:s23], $0x1  }
0xa3: {  	[sflag:s23] =	ssyncset.done $0x0  }
0xa4: {  	s25 =	simm.s32 $0x1B8E;
	s24 =	sld [smem:$0x3FFE];
	[sflag:s23] =	ssyncadd.s32 $0xFFFFFFFF  }
0xa5: {  	s26 =	simm.s32 $execute0_lowered;
	[smem:$0x3FD2] =	sst s25  }
0xa6: {  	s4 =	sshll.u32 s26, $0x1;
	_ =	strace $0x8000004C;
	[dreg:$0x1] =	wrdreg $0xFFFFFFFF  }
0xa7: {  	s28 =	simm.s32 $_size_execute0_lowered;
	s2 =	sadd.s32 s2, s4;
	[dreg:$0x0] =	wrdreg $0x0  }
0xa8: {  	s4 =	sshll.u32 s28, $0x1;
	[dreg:$0x2] =	wrdreg s2  }
0xa9: {  	[dreg:$0x3] =	wrdreg s4  }
0xaa: {  	[dreg:$0x4] =	wrdreg $0xC0  }
0xab: {  	_ =	task [dreg:s6], $0x5FFFF  }
0xac: {  	[dreg:$0x1] =	wrdreg $0xFFFFFFFF  }
0xad: {  	[dreg:$0x0] =	wrdreg $0x60  }
0xae: {  	[dreg:$0x2] =	wrdreg s24  }
0xaf: {  	[dreg:$0x3] =	wrdreg $0x8B000  }
0xb0: {  	[dreg:$0x4] =	wrdreg $0x9  }
0xb1: {  	_ =	task.clear_ibuf [dreg:s6], $0x5FFFF;
	_ =	strace $0x9000004C  }
0xb2: {  	s29 =	simm.s32 $0x9;
	_ =	strace $0x8000004E  }
0xb3: {  	_ =	swait.ge [sflag:s29], $0x1  }
0xb4: {  	[sflag:s29] =	ssyncadd.s32 $0xFFFFFFFF  }
0xb5: {  	_ =	strace $0x9000004E  }
0xb6: {  	_ =	sfence  }
0xb7: {  	s30 =	sld [smem:$0x0];
	_ =	sdelay $0x2  }
0xb8: {  	s31 =	sshll.u32 s1, $0xD;
	s1 =	sshrl.u32 s1, $0x2  }
0xb9: {  	s3 =	sand.u32 $0x4000, s31;
	s1 =	sadd.s32 s1, s30  }
0xba: {  	s0 =	sor.u32 s3, s0;
	s1 =	sshll.u32 s1, $0x11  }
0xbb: {  	s0 =	sor.u32 s1, s0  }
0xbc: {  	s0 =	sadd.s32 $0x8F2B, s0  }
0xbd: {  	[sflag:s0] =	ssyncadd.remote.s32 $0x1  }
0xbe: {  	_ =	sfence.sel $0xFFFF  }
0xbf: {  	[dreg:$0x0] =	wrdreg $0xFFFFFFFF;
	(pc) =	sbr.abs _section_cstart, $3  }
0xc0: {  	[dreg:$0x1] =	wrdreg $0xFFFFFFFF  }
0xc1: {  	_ =	task.clear_ibuf [dreg:s6], $0x2FFFF;
	_ =	strace $0x9FFFFFFF  }
0xc2: {  	(tm) =	ssettm $0x7FFFFFFF  }
0xc3: {  	_ =	shalt  }
tec
execute0_lowered:
.L_overlay_start_1:
0x0: {  	(tag) =	ssettag $0x1  }
0x1: {  	s0 =	rddreg [dreg:$0x0]  }
0x2: {  	s1 =	rddreg [dreg:$0x1];
	s2 =	simm.s32 $0x0;
	s3 =	srdreg.scid  }
0x3: {  	s9 =	stileid.u32;
	s28 =	simm.s32 $0x3;
	s29 =	simm.s32 $0x5  }
0x4: {  	s30 =	simm.s32 $0x4;
	s31 =	simm.s32 $0x2;
	[smem:$0x7FF] =	sst s2  }
0x5: {  	s6 =	sand.u32 $0x1, s3;
	s3 =	sadd.s32 $0x15E00, s0;
	s4 =	sadd.s32 $0x2200, s0  }
0x6: {  	s10 =	sadd.s32 $0x3D000, s0;
	s11 =	smul.u32 $0x2710, s9;
	p0 =	sne.s32 s9, $0x0  }
0x7: {  	_ =	strace $0x8000004D;
	s5 =	sshll.u32 s6, $0x4;
	s7 =	smul.u32 $0x27100, s6  }
0x8: {  	s6 =	ssub.s32 $0x2, s6;
	[dreg:$0x3] =	wrdreg s10;
	s18 =	sshrl.u32 @!p0 s1, $0x3  }
0x9: {  	s8 =	sor.u32 s9, s5;
	s5 =	sadd.s32 $0xC000, s0;
	s19 =	sshrl.u32 s6, $0x1  }
0xa: {  	s9 =	simm.s32 $0x8300;
	s8 =	smul.u32 $0x2710, s8;
	s0 =	sadd.s32 s7, s0  }
0xb: {  	s6 =	ssub.s32 s6, s19;
	s7 =	sadd.s32 s11, s7;
	s19 =	simm.s32 $0x7  }
0xc: {  	s11 =	simm.s32 $0x0;
	s0 =	sadd.s32 $0x64200, s0;
	s23 =	sadd.s32 $0x180, s7  }
0xd: {  	s6 =	smax.u32 s6, $0x1;
	s24 =	sadd.s32 $0x80, s7;
	[dreg:$0x9] =	wrdreg s0  }
0xe: {  	s7 =	sadd.s32 $0x100, s7;
	s20 =	sshrl.u32 s8, $0x3;
	[dreg:$0xa] =	wrdreg s6  }
0xf: {  	s0 =	sshrl.u32 s23, $0x3;
	s26 =	sshrl.u32 s24, $0x3;
	s23 =	simm.s32 $0x6  }
0x10: {  	s24 =	simm.s32 $0x4300;
	s6 =	simm.s32 $0x10;
	s8 =	sadd.s32 s4, s20  }
0x11: {  	s12 =	sadd.s32 s5, s20;
	s10 =	sadd.s32 $0x4E0, s20;
	[dreg:$0x4] =	wrdreg s8  }
0x12: {  	s15 =	sadd.s32 s0, s4;
	s8 =	sadd.s32 $0x10, s8;
	[dreg:$0x5] =	wrdreg s12  }
0x13: {  	s17 =	sadd.s32 s26, s5;
	s21 =	sadd.s32 s4, s10;
	[dreg:$0x6] =	wrdreg s8  }
0x14: {  	s20 =	simm.s32 $0x80;
	s22 =	sadd.s32 s5, s10;
	[dreg:$0x7] =	wrdreg s21  }
0x15: {  	s26 =	simm.s32 $0x1;
	s25 =	sadd.s32 $0x4D0, s12;
	[dreg:$0x8] =	wrdreg s22  }
0x16: {  	s0 =	simm.s32 $0x200;
	s10 =	simm.s32 $0x280;
	[dreg:$0xb] =	wrdreg s25  }
0x17: {  	s21 =	simm.s32 $0x300;
	s22 =	simm.s32 $0x100;
	s25 =	simm.s32 $0x180  }
.LBB2_1:
0x18: {  	s12 =	simm.s32 @!p0 $0x1C07;
	s8 =	rddreg [dreg:$0x3]  }
0x19: {  	[spmem:s18], [sflag:s12] =	dma.local @!p0 [hbm:s8], $0x27100  }
0x1a: {  	s12 =	simm.s32 @!p0 $0x7  }
0x1b: {  	_ =	swait.ge @!p0 [sflag:s12], $0x27100  }
0x1c: {  	[sflag:s12] =	ssyncset.done @!p0 $0x0  }
0x1d: {  	[sflag:s12] =	ssyncadd.s32 @!p0 $0xFFFD8F00  }
0x1e: {  	[bflag:$0x0] =	sbarrier.arrive $0xFFFF  }
0x1f: {  	s14 =	rddreg [dreg:$0x4]  }
0x20: {  	[tilespmem:s2], [sflag:$0x7] =	stream.linear.gather [hbm4b:s14+s2], $0x80, $0x38;
	[tilespmem:$0x1C380] =	vst v63  }
0x21: {  	_ =	swait.ge [sflag:s19], $0x80  }
0x22: {  	[sflag:s19] =	ssyncset.done $0x0  }
0x23: {  	[sflag:s19] =	ssyncadd.s32 $0xFFFFFF80  }
0x24: {  	[tilespmem:s21], [sflag:$0x1] =	stream.indirect.gather [hbm4b:s3+s20], $0x80, s2, s20, $0xb8;
	[tilespmem:$0x1C380] =	vst v63  }
0x25: {  	s16 =	rddreg [dreg:$0x5]  }
0x26: {  	[tilespmem:s22], [sflag:$0x3] =	stream.linear.gather [hbm4b:s16+s2], $0x80, $0x38;
	[tilespmem:$0x1C380] =	vst v63  }
0x27: {  	s12 =	rddreg [dreg:$0x6]  }
0x28: {  	[tilespmem:s20], [sflag:$0x6] =	stream.linear.gather [hbm4b:s12+s2], $0x80, $0x38;
	[tilespmem:$0x1C380] =	vst v63  }
0x29: {  	_ =	swait.ge [sflag:s23], $0x80  }
0x2a: {  	[sflag:s23] =	ssyncset.done $0x0  }
0x2b: {  	[sflag:s23] =	ssyncadd.s32 $0xFFFFFF80  }
0x2c: {  	[tilespmem:s24], [sflag:$0x2] =	stream.indirect.gather [hbm4b:s3+s20], $0x80, s20, s20, $0xb8;
	[tilespmem:$0x1C380] =	vst v63  }
0x2d: {  	s13 =	sadd.s32 $0x0, s17  }
0x2e: {  	[tilespmem:s25], [sflag:$0x4] =	stream.linear.gather [hbm4b:s13+s2], $0x80, $0x38;
	[tilespmem:$0x1C380] =	vst v63  }
0x2f: {  	_ =	swait.ge [sflag:s26], $0x4000  }
0x30: {  	s14 =	sshrl.u32 s7, $0x3;
	[sflag:s26] =	ssyncset.done $0x0  }
0x31: {  	s16 =	sadd.s32 s4, s14;
	[sflag:s26] =	ssyncadd.s32 $0xFFFFC000  }
0x32: {  	[tilespmem:s2], [sflag:$0x5] =	stream.linear.gather [hbm4b:s16+s2], $0x80, $0x38;
	[tilespmem:$0x1C380] =	vst v63  }
0x33: {  	_ =	swait.ge [sflag:s28], $0x80  }
0x34: {  	[sflag:s28] =	ssyncset.done $0x0  }
0x35: {  	[sflag:s28] =	ssyncadd.s32 $0xFFFFFF80  }
0x36: {  	[spmem:s1] =	stream.indirect.scatter.add.f32 [tilespmem:s21], [sflag:$0x7], $0x80, s22, s20, $0xb8;
	[tilespmem:$0x1C380] =	vst v63  }
0x37: {  	_ =	swait.ge [sflag:s19], $0x4000  }
0x38: {  	[sflag:s19] =	ssyncset.done $0x0  }
0x39: {  	[sflag:s19] =	ssyncadd.s32 $0xFFFFC000  }
0x3a: {  	_ =	swait.ge [sflag:s29], $0x80  }
0x3b: {  	[sflag:s29] =	ssyncset.done $0x0  }
0x3c: {  	[sflag:s29] =	ssyncadd.s32 $0xFFFFFF80  }
0x3d: {  	[tilespmem:s21], [sflag:$0x1] =	stream.indirect.gather [hbm4b:s3+s20], $0x80, s2, s20, $0xb8;
	[tilespmem:$0x1C380] =	vst v63  }
0x3e: {  	s12 =	sadd.s32 s5, s14  }
0x3f: {  	[tilespmem:s22], [sflag:$0x3] =	stream.linear.gather [hbm4b:s12+s2], $0x80, $0x38;
	[tilespmem:$0x1C380] =	vst v63  }
0x40: {  	_ =	swait.ge [sflag:s30], $0x80  }
0x41: {  	[sflag:s30] =	ssyncset.done $0x0  }
0x42: {  	[sflag:s30] =	ssyncadd.s32 $0xFFFFFF80  }
0x43: {  	_ =	swait.ge [sflag:s31], $0x4000  }
0x44: {  	[sflag:s31] =	ssyncset.done $0x0  }
0x45: {  	s16 =	sadd.s32 $0x0, s15;
	[sflag:s31] =	ssyncadd.s32 $0xFFFFC000  }
0x46: {  	[tilespmem:s20], [sflag:$0x6] =	stream.linear.gather [hbm4b:s16+s2], $0x80, $0x38;
	[tilespmem:$0x1C380] =	vst v63  }
0x47: {  	_ = 	snop  }
0x48: {  	[spmem:s1] =	stream.indirect.scatter.add.f32 [tilespmem:s24], [sflag:$0x7], $0x80, s25, s20, $0xb8;
	[tilespmem:$0x1C380] =	vst v63  }
0x49: {  	_ =	swait.ge [sflag:s19], $0x4000  }
0x4a: {  	s12 =	simm.s32 $0x20;
	s16 =	smov.u32 s7;
	[sflag:s19] =	ssyncset.done $0x0  }
.LBB2_2:
0x4b: {  	p1 =	sne.s32 s12, $0x4A0;
	[sflag:s19] =	ssyncadd.s32 $0xFFFFC000;
	s16 =	sadd.s32 $0x100, s16  }
0x4c: {  	s8 =	smov.u32 s12;
	s12 =	sadd.s32 $0x20, s12  }
0x4d: {  	_ =	swait.ge [sflag:s23], $0x80  }
0x4e: {  	[sflag:s23] =	ssyncset.done $0x0  }
0x4f: {  	[sflag:s23] =	ssyncadd.s32 $0xFFFFFF80  }
0x50: {  	[tilespmem:s24], [sflag:$0x2] =	stream.indirect.gather [hbm4b:s3+s20], $0x80, s20, s20, $0xb8;
	[tilespmem:$0x1C380] =	vst v63  }
0x51: {  	s13 =	sadd.s32 s8, s17  }
0x52: {  	[tilespmem:s25], [sflag:$0x4] =	stream.linear.gather [hbm4b:s13+s2], $0x80, $0x38;
	[tilespmem:$0x1C380] =	vst v63  }
0x53: {  	_ =	swait.ge [sflag:s26], $0x4000  }
0x54: {  	s13 =	sshrl.u32 s16, $0x3;
	[sflag:s26] =	ssyncset.done $0x0  }
0x55: {  	s14 =	sadd.s32 s4, s13;
	[sflag:s26] =	ssyncadd.s32 $0xFFFFC000  }
0x56: {  	[tilespmem:s2], [sflag:$0x5] =	stream.linear.gather [hbm4b:s14+s2], $0x80, $0x38;
	[tilespmem:$0x1C380] =	vst v63  }
0x57: {  	_ =	swait.ge [sflag:s28], $0x80  }
0x58: {  	[sflag:s28] =	ssyncset.done $0x0  }
0x59: {  	[sflag:s28] =	ssyncadd.s32 $0xFFFFFF80  }
0x5a: {  	[spmem:s1] =	stream.indirect.scatter.add.f32 [tilespmem:s21], [sflag:$0x7], $0x80, s22, s20, $0xb8;
	[tilespmem:$0x1C380] =	vst v63  }
0x5b: {  	_ =	swait.ge [sflag:s19], $0x4000  }
0x5c: {  	[sflag:s19] =	ssyncset.done $0x0  }
0x5d: {  	[sflag:s19] =	ssyncadd.s32 $0xFFFFC000  }
0x5e: {  	_ =	swait.ge [sflag:s29], $0x80  }
0x5f: {  	[sflag:s29] =	ssyncset.done $0x0  }
0x60: {  	[sflag:s29] =	ssyncadd.s32 $0xFFFFFF80  }
0x61: {  	[tilespmem:s21], [sflag:$0x1] =	stream.indirect.gather [hbm4b:s3+s20], $0x80, s2, s20, $0xb8;
	[tilespmem:$0x1C380] =	vst v63  }
0x62: {  	s13 =	sadd.s32 s5, s13  }
0x63: {  	[tilespmem:s22], [sflag:$0x3] =	stream.linear.gather [hbm4b:s13+s2], $0x80, $0x38;
	[tilespmem:$0x1C380] =	vst v63  }
0x64: {  	_ =	swait.ge [sflag:s30], $0x80  }
0x65: {  	[sflag:s30] =	ssyncset.done $0x0  }
0x66: {  	[sflag:s30] =	ssyncadd.s32 $0xFFFFFF80  }
0x67: {  	_ =	swait.ge [sflag:s31], $0x4000  }
0x68: {  	[sflag:s31] =	ssyncset.done $0x0  }
0x69: {  	s8 =	sadd.s32 s8, s15;
	[sflag:s31] =	ssyncadd.s32 $0xFFFFC000  }
0x6a: {  	[tilespmem:s20], [sflag:$0x6] =	stream.linear.gather [hbm4b:s8+s2], $0x80, $0x38;
	[tilespmem:$0x1C380] =	vst v63  }
.Ltmp0:
0x6b: {  	_ = 	snop;
	(pc) =	sbr.rel @p1 .LBB2_2-.Ltmp0, $4  }
0x6c: {  	_ = 	snop  }
0x6d: {  	[spmem:s1] =	stream.indirect.scatter.add.f32 [tilespmem:s24], [sflag:$0x7], $0x80, s25, s20, $0xb8;
	[tilespmem:$0x1C380] =	vst v63  }
0x6e: {  	_ =	swait.ge [sflag:s19], $0x4000  }
0x6f: {  	[sflag:s19] =	ssyncset.done $0x0  }
0x70: {  	[sflag:s19] =	ssyncadd.s32 $0xFFFFC000  }
0x71: {  	_ =	swait.ge [sflag:s23], $0x80  }
0x72: {  	[sflag:s23] =	ssyncset.done $0x0  }
0x73: {  	[sflag:s23] =	ssyncadd.s32 $0xFFFFFF80  }
0x74: {  	[tilespmem:s24], [sflag:$0x2] =	stream.indirect.gather [hbm4b:s3+s20], $0x80, s20, s20, $0xb8;
	[tilespmem:$0x1C380] =	vst v63  }
0x75: {  	s8 =	rddreg [dreg:$0xb]  }
0x76: {  	[tilespmem:s25], [sflag:$0x4] =	stream.linear.gather [hbm4b:s8+s2], $0x80, $0x38;
	[tilespmem:$0x1C380] =	vst v63  }
0x77: {  	_ =	swait.ge [sflag:s26], $0x4000  }
0x78: {  	[sflag:s26] =	ssyncset.done $0x0  }
0x79: {  	[sflag:s26] =	ssyncadd.s32 $0xFFFFC000  }
0x7a: {  	_ =	swait.ge [sflag:s28], $0x80  }
0x7b: {  	[sflag:s28] =	ssyncset.done $0x0  }
0x7c: {  	[sflag:s28] =	ssyncadd.s32 $0xFFFFFF80  }
0x7d: {  	[spmem:s1] =	stream.indirect.scatter.add.f32 [tilespmem:s21], [sflag:$0x7], $0x80, s22, s20, $0xb8;
	[tilespmem:$0x1C380] =	vst v63  }
0x7e: {  	_ =	swait.ge [sflag:s19], $0x4000  }
0x7f: {  	[sflag:s19] =	ssyncset.done $0x0  }
0x80: {  	[sflag:s19] =	ssyncadd.s32 $0xFFFFC000  }
0x81: {  	_ =	swait.ge [sflag:s30], $0x80  }
0x82: {  	[sflag:s30] =	ssyncset.done $0x0  }
0x83: {  	[sflag:s30] =	ssyncadd.s32 $0xFFFFFF80  }
0x84: {  	_ =	swait.ge [sflag:s31], $0x4000  }
0x85: {  	[sflag:s31] =	ssyncset.done $0x0  }
0x86: {  	[sflag:s31] =	ssyncadd.s32 $0xFFFFC000  }
0x87: {  	[spmem:s1] =	stream.indirect.scatter.add.f32 [tilespmem:s24], [sflag:$0x7], $0x80, s25, s20, $0xb8;
	[tilespmem:$0x1C380] =	vst v63  }
0x88: {  	_ =	swait.ge [sflag:s19], $0x4000  }
0x89: {  	[sflag:s19] =	ssyncset.done $0x0  }
0x8a: {  	s13 =	rddreg [dreg:$0x7];
	[sflag:s19] =	ssyncadd.s32 $0xFFFFC000  }
0x8b: {  	[tilespmem:s0], [sflag:$0x7] =	stream.linear.gather [hbm4b:s13+s2], $0x10, $0x38;
	[tilespmem:$0x1C380] =	vst v63  }
0x8c: {  	_ =	swait.ge [sflag:s19], $0x10  }
0x8d: {  	[sflag:s19] =	ssyncset.done $0x0  }
0x8e: {  	[sflag:s19] =	ssyncadd.s32 $0xFFFFFFF0  }
0x8f: {  	[tilespmem:s9], [sflag:$0x1] =	stream.indirect.gather [hbm4b:s3+s6], $0x80, s0, s6, $0xb8;
	[tilespmem:$0x1C380] =	vst v63  }
0x90: {  	_ =	swait.ge [sflag:s26], $0x800  }
0x91: {  	[sflag:s26] =	ssyncset.done $0x0  }
0x92: {  	s14 =	rddreg [dreg:$0x8];
	[sflag:s26] =	ssyncadd.s32 $0xFFFFF800  }
0x93: {  	[tilespmem:s10], [sflag:$0x7] =	stream.linear.gather [hbm4b:s14+s2], $0x10, $0x38;
	[tilespmem:$0x1C380] =	vst v63  }
0x94: {  	_ =	swait.ge [sflag:s19], $0x10  }
0x95: {  	[sflag:s19] =	ssyncset.done $0x0  }
0x96: {  	[sflag:s19] =	ssyncadd.s32 $0xFFFFFFF0  }
0x97: {  	[spmem:s1] =	stream.indirect.scatter.add.f32 [tilespmem:s9], [sflag:$0x7], $0x80, s10, s6, $0xb8;
	[tilespmem:$0x1C380] =	vst v63  }
0x98: {  	_ =	swait.ge [sflag:s19], $0x800  }
0x99: {  	[sflag:s19] =	ssyncset.done $0x0  }
0x9a: {  	[sflag:s19] =	ssyncadd.s32 $0xFFFFF800  }
0x9b: {  	[bflag:$0x0] =	sbarrier.arrive $0xFFFF  }
0x9c: {  	s8 =	simm.s32 @!p0 $0x1C07;
	s12 =	rddreg [dreg:$0x9]  }
0x9d: {  	[hbm:s12], [sflag:s8] =	dma.local @!p0 [spmem:s18], $0x27100  }
0x9e: {  	s8 =	simm.s32 @!p0 $0x7  }
0x9f: {  	_ =	swait.ge @!p0 [sflag:s8], $0x27100  }
0xa0: {  	s11 =	sadd.s32 $0x1, s11;
	s16 =	rddreg [dreg:$0xa]  }
0xa1: {  	p1 =	sne.s32 s11, s16  }
.Ltmp1:
0xa2: {  	_ = 	snop;
	(pc) =	sbr.rel @p1 .LBB2_1-.Ltmp1, $3  }
0xa3: {  	_ =	sdelay $0x1  }
0xa4: {  	[sflag:s8] =	ssyncset.done @!p0 $0x0  }
0xa5: {  	[sflag:s8] =	ssyncadd.s32 @!p0 $0xFFFD8F00  }
0xa6: {  	_ =	sfence.sel $0x180000  }
0xa7: {  	[bflag:$0x0] =	sbarrier.arrive $0xFFFF  }
0xa8: {  	_ =	strace $0x9000004D  }
0xa9: {  	[bflag:$0x2] =	sbarrier.arrive $0xFFFF  }
0xaa: {  	s0 =	rddreg [dreg:$0x2]  }
0xab: {  	s0 =	sadd.s32 @!p0 $0x100000, s0  }
0xac: {  	[sflag:s0] =	ssyncadd.tile.s32 @!p0 $0x1;
	_ =	shalt  }
.Lfunc_end2:
_tile_overlayer_lowered:
.L_overlay_start_2:
0xad: {  	(tag) =	ssettag $0x2  }
0xae: {  	s0 =	rddreg [dreg:$0x0];
	s2 =	stileid.u32  }
0xaf: {  	s1 =	rddreg [dreg:$0x1];
	p0 =	sne.s32 s2, $0x0  }
0xb0: {  	s3 =	rddreg [dreg:$0x2];
	[bflag:$0x3] =	sbarrier.arrive $0xFFFF;
	s2 =	simm.s32 @!p0 $0x1C07  }
0xb1: {  	[timem:s3], [sflag:s2] =	dma.local @!p0 [hbm:s0], s1  }
0xb2: {  	s0 =	simm.s32 @!p0 $0x7  }
0xb3: {  	_ =	swait.ge @!p0 [sflag:s0], s1  }
0xb4: {  	s1 =	ssub.s32 @!p0 $0x0, s1;
	[sflag:s0] =	ssyncset.done @!p0 $0x0  }
0xb5: {  	[sflag:s0] =	ssyncadd.s32 @!p0 s1  }
0xb6: {  	[bflag:$0x3] =	sbarrier.arrive $0xFFFF  }
0xb7: {  	_ =	shalt  }

// kernel: kernel.8.cloned.1.call-start
scs
__scs_entry_jumppad:
0x0: {  	(pc) =	sbr.rel $0x88, $3  }
0x1: {  	(tag) =	ssettag $0x0;
	lr =	simm.s32 $0x1  }
0x2: {  	[smem:$0x3F98] =	sst lr;
	_ =	strace $0xD0000000  }
0x3: {  	_ = 	snop  }
0x4: {  	_ = 	snop  }
0x5: {  	_ = 	snop  }
0x6: {  	_ = 	snop  }
0x7: {  	_ = 	snop  }
__scs_overlays_trampoline_lowered:
0x8: {  	[smem:$0x3FA7] =	sst s0  }
0x9: {  	[smem:$0x3FA8] =	sst s1  }
0xa: {  	[smem:$0x3FA9] =	sst s2  }
0xb: {  	[smem:$0x3FAA] =	sst s3  }
0xc: {  	[smem:$0x3FAB] =	sst s4  }
0xd: {  	[smem:$0x3FAC] =	sst s5  }
0xe: {  	[smem:$0x3FAD] =	sst s6  }
0xf: {  	[smem:$0x3FAE] =	sst s7  }
0x10: {  	[smem:$0x3FAF] =	sst s8  }
0x11: {  	[smem:$0x3FB0] =	sst s9;
	s0 =	simm.s32 @!p0 $0x0  }
0x12: {  	s1 =	sld [smem:$0x3F96];
	s0 =	simm.s32 @p0 $0x1  }
0x13: {  	[smem:$0x3FB1] =	sst s0;
	s0 =	simm.s32 @!p1 $0x0  }
0x14: {  	s2 =	sld [smem:$0x3F95];
	s0 =	simm.s32 @p1 $0x1  }
0x15: {  	[smem:$0x3FB2] =	sst s0;
	s0 =	simm.s32 @!p2 $0x0  }
0x16: {  	s3 =	sld [smem:$0x3FDB];
	s0 =	simm.s32 @p2 $0x1  }
0x17: {  	s4 =	simm.s32 $0x1BF5;
	[smem:$0x3FB4] =	sst s0  }
0x18: {  	s0 =	sld [smem:$0x3F97];
	_ =	swait.ge [sflag:s4], $0x0  }
0x19: {  	s7 =	sld [smem:$0x3F98]  }
0x1a: {  	s8 =	sadd.s32 $0xFFFFE003, lr  }
0x1b: {  	s9 =	sadd.s32 $0xFFFFFEF7, lr;
	s5 =	simm.s32 $0xFFFFFFFF;
	p2 =	slt.u32 s8, $0xFFFFF086  }
0x1c: {  	p1 =	slt.u32 s9, $0xF7A;
	s5 =	simm.s32 @!p2 $0x0  }
0x1d: {  	s5 =	simm.s32 @p1 $0x1;
	p0 =	seq.s32 s7, s2  }
0x1e: {  	s7 =	smul.u32 @!p0 $0xF7A, s2;
	p2 =	seq.s32 @!p0 s5, $0x0  }
0x1f: {  	s9 =	smul.u32 $0xF7A, s1;
	s8 =	simm.s32 @!p0 $0x1BF5;
	p2 =	por !p2, p0  }
0x20: {  	[sflag:s8] =	ssyncset.s32 @!p0 $0xFFFFF086;
	s6 =	sadd.s32 @!p0 s3, s7;
	s7 =	simm.s32 @!p0 $0x108  }
0x21: {  	s3 =	sadd.s32 s3, s9;
	s6 =	sadd.s32 @!p0 $0x88, s6;
	s7 =	simm.s32 @p2 $0x1082  }
0x22: {  	[simem:s7], [sflag:s8] =	dma.local @!p0 [hbm:s6], $0xF7A  }
0x23: {  	s9 =	sor.u32 $0xD0000000, s2;
	s6 =	simm.s32 $0x108;
	_ =	swait.ge @!p0 [sflag:s8], $0x0  }
0x24: {  	s3 =	sadd.s32 $0x88, s3;
	s6 =	simm.s32 @!p1 $0x1082;
	[sflag:s4] =	ssyncset.s32 $0xFFFFF086  }
0x25: {  	[simem:s6], [sflag:s4] =	dma.local [hbm:s3], $0xF7A  }
0x26: {  	[smem:$0x3F98] =	sst s1;
	(tag) =	ssettag s2;
	_ =	strace s9  }
0x27: {  	s1 =	sld [smem:$0x3FA8]  }
0x28: {  	s2 =	sld [smem:$0x3FA9]  }
0x29: {  	s4 =	sld [smem:$0x3FAB]  }
0x2a: {  	p0 =	seq.s32 s5, $0x0;
	s5 =	sld [smem:$0x3FAC]  }
0x2b: {  	s6 =	sld [smem:$0x3FAD]  }
0x2c: {  	s7 =	sld [smem:$0x3FAE]  }
0x2d: {  	s3 =	simm.s32 $0x108;
	s8 =	sld [smem:$0x3FAF]  }
0x2e: {  	s3 =	simm.s32 @!p0 $0x1082;
	s9 =	sld [smem:$0x3FB0]  }
0x2f: {  	lr =	sadd.s32 s0, s3;
	s0 =	sld [smem:$0x3FA7]  }
0x30: {  	s3 =	sld [smem:$0x3FAA]  }
0x31: {  	[smem:$0x3FB3] =	sst s10  }
0x32: {  	s10 =	sld [smem:$0x3FB1];
	_ =	sdelay $0x3  }
0x33: {  	p0 =	seq.s32 s10, $0x1;
	s10 =	sld [smem:$0x3FB3];
	_ =	sdelay $0x3  }
0x34: {  	[smem:$0x3FB3] =	sst s10  }
0x35: {  	s10 =	sld [smem:$0x3FB2];
	_ =	sdelay $0x3  }
0x36: {  	p1 =	seq.s32 s10, $0x1;
	s10 =	sld [smem:$0x3FB3];
	_ =	sdelay $0x3  }
0x37: {  	[smem:$0x3FB3] =	sst s10  }
0x38: {  	s10 =	sld [smem:$0x3FB4]  }
0x39: {  	_ = 	snop;
	(pc) =	sbr.ind lr, $3  }
0x3a: {  	_ = 	snop  }
0x3b: {  	_ = 	snop  }
0x3c: {  	p2 =	seq.s32 s10, $0x1;
	s10 =	sld [smem:$0x3FB3]  }
0x3d: {  	_ =	shalt  }
0x3e: {  	_ =	shalt  }
0x3f: {  	_ =	shalt  }
0x40: {  	_ =	shalt  }
0x41: {  	_ =	shalt  }
0x42: {  	_ =	shalt  }
0x43: {  	_ =	shalt  }
0x44: {  	_ =	shalt  }
0x45: {  	_ =	shalt  }
0x46: {  	_ =	shalt  }
0x47: {  	_ =	shalt  }
0x48: {  	_ =	shalt  }
0x49: {  	_ =	shalt  }
0x4a: {  	_ =	shalt  }
0x4b: {  	_ =	shalt  }
0x4c: {  	_ =	shalt  }
0x4d: {  	_ =	shalt  }
0x4e: {  	_ =	shalt  }
0x4f: {  	_ =	shalt  }
0x50: {  	_ =	shalt  }
0x51: {  	_ =	shalt  }
0x52: {  	_ =	shalt  }
0x53: {  	_ =	shalt  }
0x54: {  	_ =	shalt  }
0x55: {  	_ =	shalt  }
0x56: {  	_ =	shalt  }
0x57: {  	_ =	shalt  }
0x58: {  	_ =	shalt  }
0x59: {  	_ =	shalt  }
0x5a: {  	_ =	shalt  }
0x5b: {  	_ =	shalt  }
0x5c: {  	_ =	shalt  }
0x5d: {  	_ =	shalt  }
0x5e: {  	_ =	shalt  }
0x5f: {  	_ =	shalt  }
0x60: {  	_ =	shalt  }
0x61: {  	_ =	shalt  }
0x62: {  	_ =	shalt  }
0x63: {  	_ =	shalt  }
0x64: {  	_ =	shalt  }
0x65: {  	_ =	shalt  }
0x66: {  	_ =	shalt  }
0x67: {  	_ =	shalt  }
0x68: {  	_ =	shalt  }
0x69: {  	_ =	shalt  }
0x6a: {  	_ =	shalt  }
0x6b: {  	_ =	shalt  }
0x6c: {  	_ =	shalt  }
0x6d: {  	_ =	shalt  }
0x6e: {  	_ =	shalt  }
0x6f: {  	_ =	shalt  }
0x70: {  	_ =	shalt  }
0x71: {  	_ =	shalt  }
0x72: {  	_ =	shalt  }
0x73: {  	_ =	shalt  }
0x74: {  	_ =	shalt  }
0x75: {  	_ =	shalt  }
0x76: {  	_ =	shalt  }
0x77: {  	_ =	shalt  }
0x78: {  	_ =	shalt  }
0x79: {  	_ =	shalt  }
0x7a: {  	_ =	shalt  }
0x7b: {  	_ =	shalt  }
0x7c: {  	_ =	shalt  }
0x7d: {  	_ =	shalt  }
0x7e: {  	_ =	shalt  }
0x7f: {  	_ =	shalt  }
0x80: {  	_ =	shalt  }
0x81: {  	_ =	shalt  }
0x82: {  	_ =	shalt  }
0x83: {  	_ =	shalt  }
0x84: {  	_ =	shalt  }
0x85: {  	_ =	shalt  }
0x86: {  	_ =	shalt  }
0x87: {  	_ =	shalt  }
.Lfunc_end0:
.L_simem_size_0:
called_computation_lowered:
.L_overlay_start_0:
0x88: {  	s2 =	sld [smem:$0x3FD9]  }
0x89: {  	s3 =	sld [smem:$0x3FFE];
	_ =	sdelay $0x1  }
0x8a: {  	s1 =	srdreg.scid  }
0x8b: {  	s0 =	sand.u32 $0x1, s1  }
0x8c: {  	s16 =	sshll.u32 s0, $0xA;
	s2 =	sadd.s32 s3, s2  }
0x8d: {  	s2 =	sadd.s32 s2, s16  }
0x8e: {  	[smem:$0x3FBF] =	sst s2  }
0x8f: {  	_ = 	snop  }
0x90: {  	(tm) =	ssettm $0x1  }
0x91: {  	s17 =	sld [smem:$0x3FFB];
	_ =	sdelay $0x3  }
0x92: {  	_ =	strace s17  }
0x93: {  	s2 =	sld [smem:$0x3FFC];
	_ =	sdelay $0x3  }
0x94: {  	_ =	strace s2  }
0x95: {  	s2 =	sld [smem:$0x3FFD];
	_ =	sdelay $0x3  }
0x96: {  	_ =	strace s2  }
0x97: {  	_ =	strace $0x8FFFFFFF  }
0x98: {  	s18 =	sld [smem:$0x3FDB];
	_ =	sdelay $0x1  }
0x99: {  	s19 =	simm.s32 $_scs_section_size  }
0x9a: {  	s4 =	simm.s32 $_size__tile_overlayer_lowered;
	s5 =	simm.s32 $_tile_overlayer_lowered  }
0x9b: {  	s22 =	simm.s32 $0x1BFF;
	s21 =	sshll.u32 s5, $0x1;
	s2 =	sadd.s32 s19, s18  }
0x9c: {  	s6 =	simm.s32 $0x0;
	s20 =	sshll.u32 s4, $0x1;
	s4 =	sadd.s32 s21, s2  }
0x9d: {  	[timem:s6], [sflag:s22] =	dma.local [hbm:s4], s20  }
0x9e: {  	_ =	swait.ge [sflag:s22], s20  }
0x9f: {  	s3 =	ssub.s32 $0x0, s20;
	[sflag:s22] =	ssyncset.done $0x0  }
0xa0: {  	[sflag:s22] =	ssyncadd.s32 s3;
	_ =	sdelay $0x1  }
0xa1: {  	s23 =	simm.s32 $0x1B8B  }
0xa2: {  	_ =	swait.ge [sflag:s23], $0x1  }
0xa3: {  	[sflag:s23] =	ssyncset.done $0x0  }
0xa4: {  	s25 =	simm.s32 $0x1B8E;
	s24 =	sld [smem:$0x3FFE];
	[sflag:s23] =	ssyncadd.s32 $0xFFFFFFFF  }
0xa5: {  	s26 =	simm.s32 $execute0_lowered;
	[smem:$0x3FD2] =	sst s25  }
0xa6: {  	s4 =	sshll.u32 s26, $0x1;
	_ =	strace $0x80000046;
	[dreg:$0x1] =	wrdreg $0xFFFFFFFF  }
0xa7: {  	s28 =	simm.s32 $_size_execute0_lowered;
	s2 =	sadd.s32 s2, s4;
	[dreg:$0x0] =	wrdreg $0x0  }
0xa8: {  	s4 =	sshll.u32 s28, $0x1;
	[dreg:$0x2] =	wrdreg s2  }
0xa9: {  	[dreg:$0x3] =	wrdreg s4  }
0xaa: {  	[dreg:$0x4] =	wrdreg $0xC0  }
0xab: {  	_ =	task [dreg:s6], $0x5FFFF  }
0xac: {  	[dreg:$0x1] =	wrdreg $0xFFFFFFFF  }
0xad: {  	[dreg:$0x0] =	wrdreg $0x60  }
0xae: {  	[dreg:$0x2] =	wrdreg s24  }
0xaf: {  	[dreg:$0x3] =	wrdreg $0x50000  }
0xb0: {  	[dreg:$0x4] =	wrdreg $0x9  }
0xb1: {  	_ =	task.clear_ibuf [dreg:s6], $0x5FFFF;
	_ =	strace $0x90000046  }
0xb2: {  	s29 =	simm.s32 $0x9;
	_ =	strace $0x80000048  }
0xb3: {  	_ =	swait.ge [sflag:s29], $0x1  }
0xb4: {  	[sflag:s29] =	ssyncadd.s32 $0xFFFFFFFF  }
0xb5: {  	_ =	strace $0x90000048  }
0xb6: {  	_ =	sfence  }
0xb7: {  	s30 =	sld [smem:$0x0];
	_ =	sdelay $0x2  }
0xb8: {  	s31 =	sshll.u32 s1, $0xD;
	s1 =	sshrl.u32 s1, $0x2  }
0xb9: {  	s3 =	sand.u32 $0x4000, s31;
	s1 =	sadd.s32 s1, s30  }
0xba: {  	s0 =	sor.u32 s3, s0;
	s1 =	sshll.u32 s1, $0x11  }
0xbb: {  	s0 =	sor.u32 s1, s0  }
0xbc: {  	s0 =	sadd.s32 $0x8F2B, s0  }
0xbd: {  	[sflag:s0] =	ssyncadd.remote.s32 $0x1  }
0xbe: {  	_ =	sfence.sel $0xFFFF  }
0xbf: {  	[dreg:$0x0] =	wrdreg $0xFFFFFFFF;
	(pc) =	sbr.abs _section_cstart, $3  }
0xc0: {  	[dreg:$0x1] =	wrdreg $0xFFFFFFFF  }
0xc1: {  	_ =	task.clear_ibuf [dreg:s6], $0x2FFFF;
	_ =	strace $0x9FFFFFFF  }
0xc2: {  	(tm) =	ssettm $0x7FFFFFFF  }
0xc3: {  	_ =	shalt  }
tec
execute0_lowered:
.L_overlay_start_1:
0x0: {  	(tag) =	ssettag $0x1  }
0x1: {  	s0 =	srdreg.scid;
	s4 =	rddreg [dreg:$0x0]  }
0x2: {  	s1 =	rddreg [dreg:$0x1];
	s8 =	stileid.u32;
	s2 =	simm.s32 $0x0  }
0x3: {  	s10 =	simm.s32 $0x2800;
	s3 =	sand.u32 $0x1, s0;
	s0 =	rddreg [dreg:$0x2]  }
0x4: {  	s11 =	simm.s32 $0x1;
	s12 =	simm.s32 $0x0;
	[smem:$0x7FF] =	sst s2  }
0x5: {  	p0 =	sne.s32 s8, $0x0;
	s5 =	sshll.u32 s3, $0x4;
	_ =	strace $0x80000047  }
0x6: {  	s6 =	smul.u32 $0x4E2, s3;
	s7 =	ssub.s32 $0x2, s3;
	s5 =	sor.u32 s8, s5  }
0x7: {  	s3 =	sadd.s32 $0x1FE00, s4;
	s9 =	sshrl.u32 s7, $0x1;
	s5 =	smul.u32 $0x500, s5  }
0x8: {  	s8 =	simm.s32 $0x2;
	s6 =	sadd.s32 s6, s4;
	s7 =	ssub.s32 s7, s9  }
0x9: {  	s9 =	simm.s32 $0x80;
	s6 =	sadd.s32 $0x20400, s6;
	s5 =	sadd.s32 s5, s4  }
0xa: {  	v0 =	vimm.f32 $1.000000000e+00;
	s7 =	smax.u32 s7, $0x1;
	s4 =	sadd.s32 $0x15E00, s5;
	s5 =	sadd.s32 $0x2710, s1  }
.LBB2_1:
0xb: {  	[tilespmem:$0x2800] =	vst v0  }
0xc: {  	[tilespmem:$0x2810] =	vst v0  }
0xd: {  	[tilespmem:$0x2820] =	vst v0  }
0xe: {  	[tilespmem:$0x2830] =	vst v0  }
0xf: {  	[tilespmem:$0x2840] =	vst v0  }
0x10: {  	[tilespmem:$0x2850] =	vst v0  }
0x11: {  	[tilespmem:$0x2860] =	vst v0  }
0x12: {  	[tilespmem:$0x2870] =	vst v0  }
0x13: {  	[tilespmem:s2], [sflag:$0x2] =	stream.linear.gather [hbm4b:s4+s2], $0x2800, $0x38;
	[tilespmem:$0x52A0] =	vst v63  }
0x14: {  	_ =	swait.ge [sflag:s8], $0x2800  }
0x15: {  	[sflag:s8] =	ssyncset.done $0x0  }
0x16: {  	s13 =	simm.s32 @!p0 $0x0;
	s14 =	simm.s32 @!p0 $0x2880;
	[sflag:s8] =	ssyncadd.s32 $0xFFFFD800  }
0x17: {  	[tilespmem:s14], [sflag:$0x2] =	stream.linear.gather @!p0 [hbm4b:s3+s13], $0x2780, $0x38;
	[tilespmem:$0x52A0] =	vst v63  }
0x18: {  	s13 =	simm.s32 @!p0 $0x2  }
0x19: {  	_ =	swait.ge @!p0 [sflag:s13], $0x2780  }
0x1a: {  	[sflag:s13] =	ssyncset.done @!p0 $0x0  }
0x1b: {  	[sflag:s13] =	ssyncadd.s32 @!p0 $0xFFFFD880  }
0x1c: {  	[spmem:s1] =	stream.linear.scatter @!p0 [tilespmem:s14], [sflag:$0x2], $0x2710, $0x38;
	[tilespmem:$0x52A0] =	vst v63  }
0x1d: {  	_ =	swait.ge @!p0 [sflag:s13], $0x2710  }
0x1e: {  	[sflag:s13] =	ssyncset.done @!p0 $0x0  }
0x1f: {  	[sflag:s13] =	ssyncadd.s32 @!p0 $0xFFFFD8F0  }
0x20: {  	[spmem:s5] =	stream.linear.scatter @!p0 [tilespmem:s14], [sflag:$0x2], $0x280, $0x38;
	[tilespmem:$0x52A0] =	vst v63  }
0x21: {  	_ =	swait.ge @!p0 [sflag:s13], $0x280  }
0x22: {  	[sflag:s13] =	ssyncset.done @!p0 $0x0  }
0x23: {  	[sflag:s13] =	ssyncadd.s32 @!p0 $0xFFFFFD80  }
0x24: {  	s23 =	simm.s32 $0x0;
	[bflag:$0x0] =	sbarrier.arrive $0xFFFF  }
0x25: {  	[spmem:s1] =	stream.indirect.scatter.add.f32 [tilespmem:s10], [sflag:$0x1], $0x1, s23, s9, $0xb8;
	[tilespmem:$0x52A0] =	vst v63  }
0x26: {  	s24 =	simm.s32 $0x80  }
0x27: {  	[spmem:s1] =	stream.indirect.scatter.add.f32 [tilespmem:s10], [sflag:$0x1], $0x1, s24, s9, $0xb8;
	[tilespmem:$0x52A0] =	vst v63  }
0x28: {  	s25 =	simm.s32 $0x100  }
0x29: {  	[spmem:s1] =	stream.indirect.scatter.add.f32 [tilespmem:s10], [sflag:$0x1], $0x1, s25, s9, $0xb8;
	[tilespmem:$0x52A0] =	vst v63  }
0x2a: {  	s26 =	simm.s32 $0x180  }
0x2b: {  	[spmem:s1] =	stream.indirect.scatter.add.f32 [tilespmem:s10], [sflag:$0x1], $0x1, s26, s9, $0xb8;
	[tilespmem:$0x52A0] =	vst v63  }
0x2c: {  	s28 =	simm.s32 $0x200  }
0x2d: {  	[spmem:s1] =	stream.indirect.scatter.add.f32 [tilespmem:s10], [sflag:$0x1], $0x1, s28, s9, $0xb8;
	[tilespmem:$0x52A0] =	vst v63  }
0x2e: {  	s29 =	simm.s32 $0x280  }
0x2f: {  	[spmem:s1] =	stream.indirect.scatter.add.f32 [tilespmem:s10], [sflag:$0x1], $0x1, s29, s9, $0xb8;
	[tilespmem:$0x52A0] =	vst v63  }
0x30: {  	s30 =	simm.s32 $0x300  }
0x31: {  	[spmem:s1] =	stream.indirect.scatter.add.f32 [tilespmem:s10], [sflag:$0x1], $0x1, s30, s9, $0xb8;
	[tilespmem:$0x52A0] =	vst v63  }
0x32: {  	s31 =	simm.s32 $0x380  }
0x33: {  	[spmem:s1] =	stream.indirect.scatter.add.f32 [tilespmem:s10], [sflag:$0x1], $0x1, s31, s9, $0xb8;
	[tilespmem:$0x52A0] =	vst v63  }
0x34: {  	_ =	swait.ge [sflag:s11], $0x80  }
0x35: {  	[sflag:s11] =	ssyncset.done $0x0  }
0x36: {  	[sflag:s11] =	ssyncadd.s32 $0xFFFFFF80  }
0x37: {  	_ =	swait.ge [sflag:s11], $0x80  }
0x38: {  	[sflag:s11] =	ssyncset.done $0x0  }
0x39: {  	[sflag:s11] =	ssyncadd.s32 $0xFFFFFF80  }
0x3a: {  	_ =	swait.ge [sflag:s11], $0x80  }
0x3b: {  	[sflag:s11] =	ssyncset.done $0x0  }
0x3c: {  	[sflag:s11] =	ssyncadd.s32 $0xFFFFFF80  }
0x3d: {  	_ =	swait.ge [sflag:s11], $0x80  }
0x3e: {  	[sflag:s11] =	ssyncset.done $0x0  }
0x3f: {  	[sflag:s11] =	ssyncadd.s32 $0xFFFFFF80  }
0x40: {  	_ =	swait.ge [sflag:s11], $0x80  }
0x41: {  	[sflag:s11] =	ssyncset.done $0x0  }
0x42: {  	[sflag:s11] =	ssyncadd.s32 $0xFFFFFF80  }
0x43: {  	_ =	swait.ge [sflag:s11], $0x80  }
0x44: {  	[sflag:s11] =	ssyncset.done $0x0  }
0x45: {  	[sflag:s11] =	ssyncadd.s32 $0xFFFFFF80  }
0x46: {  	_ =	swait.ge [sflag:s11], $0x80  }
0x47: {  	[sflag:s11] =	ssyncset.done $0x0  }
0x48: {  	[sflag:s11] =	ssyncadd.s32 $0xFFFFFF80  }
0x49: {  	_ =	swait.ge [sflag:s11], $0x80  }
0x4a: {  	s15 =	simm.s32 $0x2000;
	s13 =	simm.s32 $0x1000;
	[sflag:s11] =	ssyncset.done $0x0  }
.LBB2_2:
0x4b: {  	s16 =	sshra.s32 s13, $0x2  }
0x4c: {  	[sflag:s11] =	ssyncadd.s32 $0xFFFFFF80;
	s13 =	smov.u32 s15;
	s14 =	sadd.s32 $0x1000, s15  }
0x4d: {  	[spmem:s1] =	stream.indirect.scatter.add.f32 [tilespmem:s10], [sflag:$0x1], $0x1, s16, s9, $0xb8;
	[tilespmem:$0x52A0] =	vst v63  }
0x4e: {  	p1 =	sne.s32 s15, $0x9000;
	s15 =	sadd.s32 $0x80, s16  }
0x4f: {  	[spmem:s1] =	stream.indirect.scatter.add.f32 [tilespmem:s10], [sflag:$0x1], $0x1, s15, s9, $0xb8;
	[tilespmem:$0x52A0] =	vst v63  }
0x50: {  	s15 =	sadd.s32 $0x100, s16  }
0x51: {  	[spmem:s1] =	stream.indirect.scatter.add.f32 [tilespmem:s10], [sflag:$0x1], $0x1, s15, s9, $0xb8;
	[tilespmem:$0x52A0] =	vst v63  }
0x52: {  	s15 =	sadd.s32 $0x180, s16  }
0x53: {  	[spmem:s1] =	stream.indirect.scatter.add.f32 [tilespmem:s10], [sflag:$0x1], $0x1, s15, s9, $0xb8;
	[tilespmem:$0x52A0] =	vst v63  }
0x54: {  	s15 =	sadd.s32 $0x200, s16  }
0x55: {  	[spmem:s1] =	stream.indirect.scatter.add.f32 [tilespmem:s10], [sflag:$0x1], $0x1, s15, s9, $0xb8;
	[tilespmem:$0x52A0] =	vst v63  }
0x56: {  	s15 =	sadd.s32 $0x280, s16  }
0x57: {  	[spmem:s1] =	stream.indirect.scatter.add.f32 [tilespmem:s10], [sflag:$0x1], $0x1, s15, s9, $0xb8;
	[tilespmem:$0x52A0] =	vst v63  }
0x58: {  	s15 =	sadd.s32 $0x300, s16  }
0x59: {  	[spmem:s1] =	stream.indirect.scatter.add.f32 [tilespmem:s10], [sflag:$0x1], $0x1, s15, s9, $0xb8;
	[tilespmem:$0x52A0] =	vst v63  }
0x5a: {  	s15 =	sadd.s32 $0x380, s16  }
0x5b: {  	[spmem:s1] =	stream.indirect.scatter.add.f32 [tilespmem:s10], [sflag:$0x1], $0x1, s15, s9, $0xb8;
	[tilespmem:$0x52A0] =	vst v63  }
0x5c: {  	_ =	swait.ge [sflag:s11], $0x80  }
0x5d: {  	[sflag:s11] =	ssyncset.done $0x0  }
0x5e: {  	[sflag:s11] =	ssyncadd.s32 $0xFFFFFF80  }
0x5f: {  	_ =	swait.ge [sflag:s11], $0x80  }
0x60: {  	[sflag:s11] =	ssyncset.done $0x0  }
0x61: {  	[sflag:s11] =	ssyncadd.s32 $0xFFFFFF80  }
0x62: {  	_ =	swait.ge [sflag:s11], $0x80  }
0x63: {  	[sflag:s11] =	ssyncset.done $0x0  }
0x64: {  	[sflag:s11] =	ssyncadd.s32 $0xFFFFFF80  }
0x65: {  	_ =	swait.ge [sflag:s11], $0x80  }
0x66: {  	[sflag:s11] =	ssyncset.done $0x0  }
0x67: {  	[sflag:s11] =	ssyncadd.s32 $0xFFFFFF80  }
0x68: {  	_ =	swait.ge [sflag:s11], $0x80  }
0x69: {  	[sflag:s11] =	ssyncset.done $0x0  }
0x6a: {  	[sflag:s11] =	ssyncadd.s32 $0xFFFFFF80  }
0x6b: {  	_ =	swait.ge [sflag:s11], $0x80  }
0x6c: {  	[sflag:s11] =	ssyncset.done $0x0  }
0x6d: {  	[sflag:s11] =	ssyncadd.s32 $0xFFFFFF80  }
.Ltmp0:
0x6e: {  	_ =	swait.ge [sflag:s11], $0x80;
	(pc) =	sbr.rel @p1 .LBB2_2-.Ltmp0, $4  }
0x6f: {  	[sflag:s11] =	ssyncset.done $0x0  }
0x70: {  	[sflag:s11] =	ssyncadd.s32 $0xFFFFFF80  }
0x71: {  	_ =	swait.ge [sflag:s11], $0x80  }
0x72: {  	s15 =	smov.u32 s14;
	[sflag:s11] =	ssyncset.done $0x0  }
0x73: {  	s13 =	sshra.s32 s13, $0x2;
	[sflag:s11] =	ssyncadd.s32 $0xFFFFFF80  }
0x74: {  	[spmem:s1] =	stream.indirect.scatter.add.f32 [tilespmem:s10], [sflag:$0x1], $0x1, s13, s9, $0xb8;
	[tilespmem:$0x52A0] =	vst v63  }
0x75: {  	s14 =	sadd.s32 $0x80, s13  }
0x76: {  	[spmem:s1] =	stream.indirect.scatter.add.f32 [tilespmem:s10], [sflag:$0x1], $0x1, s14, s9, $0xb8;
	[tilespmem:$0x52A0] =	vst v63  }
0x77: {  	s26 =	sadd.s32 $0x100, s13  }
0x78: {  	[spmem:s1] =	stream.indirect.scatter.add.f32 [tilespmem:s10], [sflag:$0x1], $0x1, s26, s9, $0xb8;
	[tilespmem:$0x52A0] =	vst v63  }
0x79: {  	s28 =	sadd.s32 $0x180, s13  }
0x7a: {  	[spmem:s1] =	stream.indirect.scatter.add.f32 [tilespmem:s10], [sflag:$0x1], $0x1, s28, s9, $0xb8;
	[tilespmem:$0x52A0] =	vst v63  }
0x7b: {  	s29 =	sadd.s32 $0x200, s13  }
0x7c: {  	[spmem:s1] =	stream.indirect.scatter.add.f32 [tilespmem:s10], [sflag:$0x1], $0x1, s29, s9, $0xb8;
	[tilespmem:$0x52A0] =	vst v63  }
0x7d: {  	s30 =	sadd.s32 $0x280, s13  }
0x7e: {  	[spmem:s1] =	stream.indirect.scatter.add.f32 [tilespmem:s10], [sflag:$0x1], $0x1, s30, s9, $0xb8;
	[tilespmem:$0x52A0] =	vst v63  }
0x7f: {  	s31 =	sadd.s32 $0x300, s13  }
0x80: {  	[spmem:s1] =	stream.indirect.scatter.add.f32 [tilespmem:s10], [sflag:$0x1], $0x1, s31, s9, $0xb8;
	[tilespmem:$0x52A0] =	vst v63  }
0x81: {  	s13 =	sadd.s32 $0x380, s13  }
0x82: {  	[spmem:s1] =	stream.indirect.scatter.add.f32 [tilespmem:s10], [sflag:$0x1], $0x1, s13, s9, $0xb8;
	[tilespmem:$0x52A0] =	vst v63  }
0x83: {  	_ =	swait.ge [sflag:s11], $0x80  }
0x84: {  	[sflag:s11] =	ssyncset.done $0x0  }
0x85: {  	[sflag:s11] =	ssyncadd.s32 $0xFFFFFF80  }
0x86: {  	_ =	swait.ge [sflag:s11], $0x80  }
0x87: {  	[sflag:s11] =	ssyncset.done $0x0  }
0x88: {  	[sflag:s11] =	ssyncadd.s32 $0xFFFFFF80  }
0x89: {  	_ =	swait.ge [sflag:s11], $0x80  }
0x8a: {  	[sflag:s11] =	ssyncset.done $0x0  }
0x8b: {  	[sflag:s11] =	ssyncadd.s32 $0xFFFFFF80  }
0x8c: {  	_ =	swait.ge [sflag:s11], $0x80  }
0x8d: {  	[sflag:s11] =	ssyncset.done $0x0  }
0x8e: {  	[sflag:s11] =	ssyncadd.s32 $0xFFFFFF80  }
0x8f: {  	_ =	swait.ge [sflag:s11], $0x80  }
0x90: {  	[sflag:s11] =	ssyncset.done $0x0  }
0x91: {  	[sflag:s11] =	ssyncadd.s32 $0xFFFFFF80  }
0x92: {  	_ =	swait.ge [sflag:s11], $0x80  }
0x93: {  	[sflag:s11] =	ssyncset.done $0x0  }
0x94: {  	[sflag:s11] =	ssyncadd.s32 $0xFFFFFF80  }
0x95: {  	_ =	swait.ge [sflag:s11], $0x80  }
0x96: {  	[sflag:s11] =	ssyncset.done $0x0  }
0x97: {  	[sflag:s11] =	ssyncadd.s32 $0xFFFFFF80  }
0x98: {  	_ =	swait.ge [sflag:s11], $0x80  }
0x99: {  	[sflag:s11] =	ssyncset.done $0x0  }
0x9a: {  	[sflag:s11] =	ssyncadd.s32 $0xFFFFFF80  }
0x9b: {  	s14 =	simm.s32 @!p0 $0x2;
	s13 =	simm.s32 @!p0 $0x2880;
	[bflag:$0x0] =	sbarrier.arrive $0xFFFF  }
0x9c: {  	[tilespmem:s13], [sflag:$0x2] =	stream.linear.gather @!p0 [spmem:s1], $0x2710, $0x38;
	[tilespmem:$0x52A0] =	vst v63  }
0x9d: {  	s12 =	sadd.s32 $0x1, s12;
	_ =	swait.ge @!p0 [sflag:s14], $0x2710  }
0x9e: {  	p1 =	sne.s32 s12, s7;
	[sflag:s14] =	ssyncset.done @!p0 $0x0  }
.Ltmp1:
0x9f: {  	s15 =	simm.s32 @!p0 $0x0;
	[sflag:s14] =	ssyncadd.s32 @!p0 $0xFFFFD8F0;
	(pc) =	sbr.rel @p1 .LBB2_1-.Ltmp1, $4  }
0xa0: {  	[hbm4b:s6+s15] =	stream.linear.scatter @!p0 [tilespmem:s13], [sflag:$0x2], $0x2710, $0x38;
	[tilespmem:$0x52A0] =	vst v63  }
0xa1: {  	_ =	swait.ge @!p0 [sflag:s14], $0x2710  }
0xa2: {  	[sflag:s14] =	ssyncset.done @!p0 $0x0  }
0xa3: {  	[sflag:s14] =	ssyncadd.s32 @!p0 $0xFFFFD8F0  }
0xa4: {  	_ =	sfence.sel $0x180000  }
0xa5: {  	[bflag:$0x0] =	sbarrier.arrive $0xFFFF  }
0xa6: {  	_ =	strace $0x90000047  }
0xa7: {  	s0 =	sadd.s32 @!p0 $0x100000, s0;
	[bflag:$0x2] =	sbarrier.arrive $0xFFFF  }
0xa8: {  	[sflag:s0] =	ssyncadd.tile.s32 @!p0 $0x1;
	_ =	shalt  }
.Lfunc_end2:
_tile_overlayer_lowered:
.L_overlay_start_2:
0xa9: {  	(tag) =	ssettag $0x2  }
0xaa: {  	s0 =	rddreg [dreg:$0x0];
	s2 =	stileid.u32  }
0xab: {  	s1 =	rddreg [dreg:$0x1];
	p0 =	sne.s32 s2, $0x0  }
0xac: {  	s3 =	rddreg [dreg:$0x2];
	[bflag:$0x3] =	sbarrier.arrive $0xFFFF;
	s2 =	simm.s32 @!p0 $0x1C02  }
0xad: {  	[timem:s3], [sflag:s2] =	dma.local @!p0 [hbm:s0], s1  }
0xae: {  	s0 =	simm.s32 @!p0 $0x2  }
0xaf: {  	_ =	swait.ge @!p0 [sflag:s0], s1  }
0xb0: {  	s1 =	ssub.s32 @!p0 $0x0, s1;
	[sflag:s0] =	ssyncset.done @!p0 $0x0  }
0xb1: {  	[sflag:s0] =	ssyncadd.s32 @!p0 s1  }
0xb2: {  	[bflag:$0x3] =	sbarrier.arrive $0xFFFF  }
0xb3: {  	_ =	shalt  }

</sc_bundles>
